<compile_context>
chip_gen: v7x
topology: tpu7x:2x2x1
jax: 0.10.2.dev20260603
libtpu: 0.0.44.dev20260713+nightly
codegen_flags: <defaults>
</compile_context>

<pallas_src>
import functools

import jax
import jax.numpy as jnp
from jax import lax
from jax.experimental import pallas as pl
from jax.experimental.pallas import tpu as pltpu
from jax.experimental.pallas import tpu_sc as plsc


def kernel(x, tok_emb, pos_emb):
    B, T = x.shape
    V, D = tok_emb.shape
    L = 16

    info = plsc.get_sparse_core_info()
    NC, NS = info.num_cores, info.num_subcores
    NW = NC * NS
    t_span = T // NW
    C = 16
    nch = t_span // C
    G = nch * B
    NBUF = 4
    SPI = 2 * B
    NIT = G // SPI
    VPR = D // L

    mesh = plsc.VectorSubcoreMesh(core_axis_name="c", subcore_axis_name="s")

    @functools.partial(
        pl.kernel,
        mesh=mesh,
        out_type=jax.ShapeDtypeStruct((B * T, D), jnp.float32),
        scratch_types=[
            pltpu.VMEM((B, t_span), jnp.int32),
            pltpu.VMEM((NBUF, C, D), jnp.float32),
            pltpu.VMEM((2, C, D), jnp.float32),
            pltpu.SemaphoreType.DMA,
            pltpu.SemaphoreType.DMA,
            pltpu.SemaphoreType.DMA,
        ],
    )
    def emb_kernel(x_hbm, tok_hbm, pos_hbm, out_hbm, idx_v, rows_v, pos_v,
                   sem_g, sem_o, sem_p):
        wid = lax.axis_index("s") * NC + lax.axis_index("c")
        t0 = wid * t_span

        idx_cp = pltpu.async_copy(x_hbm.at[:, pl.ds(t0, t_span)], idx_v,
                                  sem_g)
        for c in range(2):
            pltpu.async_copy(pos_hbm.at[pl.ds(t0 + c * C, C)], pos_v.at[c],
                             sem_p)
        idx_cp.wait()

        for b in range(2):
            pltpu.async_copy(
                tok_hbm.at[idx_v.at[b, pl.ds(0, C)]], rows_v.at[b], sem_g)

        def drain_gather(slot):
            pltpu.make_async_copy(
                pos_hbm.at[pl.ds(0, C)], rows_v.at[slot], sem_g).wait()

        def drain_out(slot):
            pltpu.make_async_copy(
                pos_hbm.at[pl.ds(0, C)], rows_v.at[slot], sem_o).wait()

        def drain_pos(p):
            pltpu.make_async_copy(
                pos_hbm.at[pl.ds(0, C)], pos_v.at[p], sem_p).wait()

        def loop_body(i, _):
            for k in range(SPI):
                p, b = divmod(k, B)
                ch = 2 * i + p
                g_off = k
                slot = k % NBUF
                if k < 2:
                    @pl.when(i > 0)
                    def _():
                        drain_out((k + 2) % NBUF)
                else:
                    drain_out((k + 2) % NBUF)
                k2 = k + 2
                p2, b2 = divmod(k2 % SPI, B)
                ch2 = 2 * i + (k2 // B)
                if k2 < SPI:
                    pltpu.async_copy(
                        tok_hbm.at[idx_v.at[b2, pl.ds(ch2 * C, C)]],
                        rows_v.at[k2 % NBUF], sem_g)
                else:
                    @pl.when(i < NIT - 1)
                    def _():
                        pltpu.async_copy(
                            tok_hbm.at[idx_v.at[b2, pl.ds(ch2 * C, C)]],
                            rows_v.at[k2 % NBUF], sem_g)
                drain_gather(slot)
                if b == 0:
                    drain_pos(p)

                @plsc.parallel_loop(0, C * VPR, unroll=8)
                def add_body(j):
                    r = j // VPR
                    col = (j % VPR) * L
                    plsc.addupdate(
                        rows_v.at[slot, r, pl.ds(col, L)],
                        pos_v[p, r, pl.ds(col, L)])

                if b == B - 1:
                    @pl.when(ch + 2 < nch)
                    def _():
                        pltpu.async_copy(
                            pos_hbm.at[pl.ds(t0 + (ch + 2) * C, C)],
                            pos_v.at[p], sem_p)
                row0 = b * T + t0 + ch * C
                pltpu.async_copy(
                    rows_v.at[slot], out_hbm.at[pl.ds(row0, C)], sem_o)
            return 0

        lax.fori_loop(0, NIT, loop_body, 0)

        drain_out(2)
        drain_out(3)

    out = emb_kernel(x, tok_emb, pos_emb)
    return out.reshape(B, T, D)

# --- scband reference (transcript-rebuilt; emitter-appended) ---
"""Pipeline reference for scband-embeddings-8478265442698 (READ-ONLY COPY).

The authoritative reference and input builder live on the scoring server;
editing this copy changes nothing except your own understanding.
"""

import jax, jax.numpy as jnp
import numpy as np

VOCAB = 100000
MODEL_DIM = 1024
MAX_SEQ_LEN = 8192
B, T = 4, 8192


def get_sin_emb(max_seq_len, model_dim, n=10000.0):
    positions = np.arange(0, max_seq_len, dtype=np.float64)[:, None]
    emb = np.zeros((max_seq_len, model_dim), dtype=np.float32)
    denominators = np.power(n, 2.0 * np.arange(0, model_dim // 2, dtype=np.float64) / model_dim)
    emb[:, 0::2] = np.sin(positions / denominators).astype(np.float32)
    emb[:, 1::2] = np.cos(positions / denominators).astype(np.float32)
    return jnp.asarray(emb)


def setup_inputs(seed: int = 0) -> dict:
    key = jax.random.key(seed)
    k_x, k_w = jax.random.split(key)
    x = jax.random.randint(k_x, (B, T), 0, VOCAB, dtype=jnp.int32)
    tok_emb = jax.random.normal(k_w, (VOCAB, MODEL_DIM), dtype=jnp.float32) * (MODEL_DIM ** -0.5)
    pos_emb = get_sin_emb(MAX_SEQ_LEN, MODEL_DIM)
    return {"x": x, "tok_emb": tok_emb, "pos_emb": pos_emb}


def reference(x, tok_emb, pos_emb):
    # Faithful translation: tok_emb(x) + pos_emb[:T, :]
    T_cur = x.shape[1]
    return jnp.take(tok_emb, x, axis=0) + pos_emb[:T_cur, :]

if __name__ == "__main__":
    import jax
    _d = setup_inputs()
    print(jax.jit(kernel)(*tuple(_d.values())))

</pallas_src>

<mosaic_0001>
#map = affine_map<(d0, d1) -> (0, 0)>
module attributes {stable_mosaic.version = 14 : i64} {
  func.func @emb_kernel(%arg0: i32, %arg1: i32, %arg2: memref<4x8192xi32, #tpu.memory_space<hbm>>, %arg3: memref<100000x1024xf32, #tpu.memory_space<hbm>>, %arg4: memref<8192x1024xf32, #tpu.memory_space<hbm>>, %arg5: memref<32768x1024xf32, #tpu.memory_space<hbm>>, %arg6: memref<4x256xi32, #tpu.memory_space<vmem>>, %arg7: memref<4x16x1024xf32, #tpu.memory_space<vmem>>, %arg8: memref<2x16x1024xf32, #tpu.memory_space<vmem>>, %arg9: memref<!tpu.dma_semaphore, #tpu.memory_space<semaphore_mem>>, %arg10: memref<!tpu.dma_semaphore, #tpu.memory_space<semaphore_mem>>, %arg11: memref<!tpu.dma_semaphore, #tpu.memory_space<semaphore_mem>>) attributes {dimension_semantics = [#tpu.dimension_semantics<core_parallel>, #tpu.dimension_semantics<subcore_parallel>], iteration_bounds = array<i64: 2, 16>, scalar_prefetch = 0 : i64, scratch_operands = 6 : i64, tpu.core_type = #tpu.core_type<sc_vector_subcore>, window_params = [{transform_indices = #map}, {transform_indices = #map}, {transform_indices = #map}, {transform_indices = #map}]} {
    %mul3A = arith.constant 2 : i32
    %mul3A_0 = arith.muli %arg1, %mul3A : i32
    %add3A = arith.addi %mul3A_0, %arg0 : i32
    %mul3A_1 = arith.constant 256 : i32
    %mul3A_2 = arith.muli %add3A, %mul3A_1 : i32
    %dma_start3A = arith.constant 0 : i32
    %dma_start3A_3 = tpu.memref_slice %arg2[%dma_start3A, %mul3A_2] : memref<4x8192xi32, #tpu.memory_space<hbm>> -> memref<4x256xi32, #tpu.memory_space<hbm>>
    %dma_start3A_4 = arith.constant 0 : i32
    %dma_start3A_5 = tpu.memref_slice %arg2[%dma_start3A_4, %mul3A_2] : memref<4x8192xi32, #tpu.memory_space<hbm>> -> memref<4x256xi32, #tpu.memory_space<hbm>>
    tpu.enqueue_dma source(%dma_start3A_5 : memref<4x256xi32, #tpu.memory_space<hbm>>) target(%arg6 : memref<4x256xi32, #tpu.memory_space<vmem>>) target_semaphore(%arg9 : memref<!tpu.dma_semaphore, #tpu.memory_space<semaphore_mem>>)
    %add3A_6 = arith.constant 0 : i32
    %add3A_7 = arith.addi %mul3A_2, %add3A_6 : i32
    %dma_start3A_8 = arith.constant 0 : i32
    %dma_start3A_9 = arith.constant 0 : i32
    %dma_start3A_10 = arith.constant 0 : i32
    %dma_start3A_11 = tpu.memref_slice %arg8[%dma_start3A_8, %dma_start3A_9, %dma_start3A_10] : memref<2x16x1024xf32, #tpu.memory_space<vmem>> -> memref<1x16x1024xf32, #tpu.memory_space<vmem>>
    %dma_start3A_12 = tpu.memref_squeeze %dma_start3A_11 : memref<1x16x1024xf32, #tpu.memory_space<vmem>> -> memref<16x1024xf32, #tpu.memory_space<vmem>>
    %dma_start3A_13 = arith.constant 0 : i32
    %dma_start3A_14 = tpu.memref_slice %arg4[%add3A_7, %dma_start3A_13] : memref<8192x1024xf32, #tpu.memory_space<hbm>> -> memref<16x1024xf32, #tpu.memory_space<hbm>>
    %dma_start3A_15 = arith.constant 0 : i32
    %dma_start3A_16 = arith.constant 0 : i32
    %dma_start3A_17 = tpu.memref_slice %arg8[%dma_start3A_8, %dma_start3A_15, %dma_start3A_16] : memref<2x16x1024xf32, #tpu.memory_space<vmem>> -> memref<1x16x1024xf32, #tpu.memory_space<vmem>>
    %dma_start3A_18 = tpu.memref_squeeze %dma_start3A_17 : memref<1x16x1024xf32, #tpu.memory_space<vmem>> -> memref<16x1024xf32, #tpu.memory_space<vmem>>
    %dma_start3A_19 = arith.constant 0 : i32
    %dma_start3A_20 = tpu.memref_slice %arg4[%add3A_7, %dma_start3A_19] : memref<8192x1024xf32, #tpu.memory_space<hbm>> -> memref<16x1024xf32, #tpu.memory_space<hbm>>
    tpu.enqueue_dma source(%dma_start3A_20 : memref<16x1024xf32, #tpu.memory_space<hbm>>) target(%dma_start3A_18 : memref<16x1024xf32, #tpu.memory_space<vmem>>) target_semaphore(%arg11 : memref<!tpu.dma_semaphore, #tpu.memory_space<semaphore_mem>>)
    %add3A_21 = arith.constant 16 : i32
    %add3A_22 = arith.addi %mul3A_2, %add3A_21 : i32
    %dma_start3A_23 = arith.constant 1 : i32
    %dma_start3A_24 = arith.constant 0 : i32
    %dma_start3A_25 = arith.constant 0 : i32
    %dma_start3A_26 = tpu.memref_slice %arg8[%dma_start3A_23, %dma_start3A_24, %dma_start3A_25] : memref<2x16x1024xf32, #tpu.memory_space<vmem>> -> memref<1x16x1024xf32, #tpu.memory_space<vmem>>
    %dma_start3A_27 = tpu.memref_squeeze %dma_start3A_26 : memref<1x16x1024xf32, #tpu.memory_space<vmem>> -> memref<16x1024xf32, #tpu.memory_space<vmem>>
    %dma_start3A_28 = arith.constant 0 : i32
    %dma_start3A_29 = tpu.memref_slice %arg4[%add3A_22, %dma_start3A_28] : memref<8192x1024xf32, #tpu.memory_space<hbm>> -> memref<16x1024xf32, #tpu.memory_space<hbm>>
    %dma_start3A_30 = arith.constant 0 : i32
    %dma_start3A_31 = arith.constant 0 : i32
    %dma_start3A_32 = tpu.memref_slice %arg8[%dma_start3A_23, %dma_start3A_30, %dma_start3A_31] : memref<2x16x1024xf32, #tpu.memory_space<vmem>> -> memref<1x16x1024xf32, #tpu.memory_space<vmem>>
    %dma_start3A_33 = tpu.memref_squeeze %dma_start3A_32 : memref<1x16x1024xf32, #tpu.memory_space<vmem>> -> memref<16x1024xf32, #tpu.memory_space<vmem>>
    %dma_start3A_34 = arith.constant 0 : i32
    %dma_start3A_35 = tpu.memref_slice %arg4[%add3A_22, %dma_start3A_34] : memref<8192x1024xf32, #tpu.memory_space<hbm>> -> memref<16x1024xf32, #tpu.memory_space<hbm>>
    tpu.enqueue_dma source(%dma_start3A_35 : memref<16x1024xf32, #tpu.memory_space<hbm>>) target(%dma_start3A_33 : memref<16x1024xf32, #tpu.memory_space<vmem>>) target_semaphore(%arg11 : memref<!tpu.dma_semaphore, #tpu.memory_space<semaphore_mem>>)
    %dma_wait3A = arith.constant 0 : i32
    %dma_wait3A_36 = tpu.memref_slice %arg2[%dma_wait3A, %mul3A_2] : memref<4x8192xi32, #tpu.memory_space<hbm>> -> memref<4x256xi32, #tpu.memory_space<hbm>>
    %dma_wait3A_37 = arith.constant 0 : i32
    %dma_wait3A_38 = tpu.memref_slice %arg2[%dma_wait3A_37, %mul3A_2] : memref<4x8192xi32, #tpu.memory_space<hbm>> -> memref<4x256xi32, #tpu.memory_space<hbm>>
    tpu.wait_dma2 semaphore(%arg9 : memref<!tpu.dma_semaphore, #tpu.memory_space<semaphore_mem>>) src(%dma_wait3A_38 : memref<4x256xi32, #tpu.memory_space<hbm>>) dst(%arg6 : memref<4x256xi32, #tpu.memory_space<vmem>>)
    %dma_start3A_39 = arith.constant 0 : i32
    %dma_start3A_40 = arith.constant 0 : i32
    %dma_start3A_41 = arith.constant 0 : i32
    %dma_start3A_42 = arith.constant 0 : i32
    %dma_start3A_43 = tpu.memref_slice %arg7[%dma_start3A_40, %dma_start3A_41, %dma_start3A_42] : memref<4x16x1024xf32, #tpu.memory_space<vmem>> -> memref<1x16x1024xf32, #tpu.memory_space<vmem>>
    %dma_start3A_44 = tpu.memref_squeeze %dma_start3A_43 : memref<1x16x1024xf32, #tpu.memory_space<vmem>> -> memref<16x1024xf32, #tpu.memory_space<vmem>>
    %dma_start3A_45 = arith.constant 0 : i32
    %dma_start3A_46 = tpu.memref_slice %arg6[%dma_start3A_39, %dma_start3A_45] : memref<4x256xi32, #tpu.memory_space<vmem>> -> memref<1x16xi32, #tpu.memory_space<vmem>>
    %dma_start3A_47 = tpu.memref_squeeze %dma_start3A_46 : memref<1x16xi32, #tpu.memory_space<vmem>> -> memref<16xi32, #tpu.memory_space<vmem>>
    %dma_start3A_48 = arith.constant 0 : i32
    %dma_start3A_49 = arith.constant 0 : i32
    %dma_start3A_50 = tpu.memref_slice %arg3[%dma_start3A_48, %dma_start3A_49] : memref<100000x1024xf32, #tpu.memory_space<hbm>> -> memref<100000x1024xf32, #tpu.memory_space<hbm>>
    tpu.enqueue_indirect_dma source(%dma_start3A_50 : memref<100000x1024xf32, #tpu.memory_space<hbm>>) target(%dma_start3A_44 : memref<16x1024xf32, #tpu.memory_space<vmem>>) offsets(%dma_start3A_47 : memref<16xi32, #tpu.memory_space<vmem>>) semaphore(%arg9 : memref<!tpu.dma_semaphore, #tpu.memory_space<semaphore_mem>>)
    %dma_start3A_51 = arith.constant 1 : i32
    %dma_start3A_52 = arith.constant 1 : i32
    %dma_start3A_53 = arith.constant 0 : i32
    %dma_start3A_54 = arith.constant 0 : i32
    %dma_start3A_55 = tpu.memref_slice %arg7[%dma_start3A_52, %dma_start3A_53, %dma_start3A_54] : memref<4x16x1024xf32, #tpu.memory_space<vmem>> -> memref<1x16x1024xf32, #tpu.memory_space<vmem>>
    %dma_start3A_56 = tpu.memref_squeeze %dma_start3A_55 : memref<1x16x1024xf32, #tpu.memory_space<vmem>> -> memref<16x1024xf32, #tpu.memory_space<vmem>>
    %dma_start3A_57 = arith.constant 0 : i32
    %dma_start3A_58 = tpu.memref_slice %arg6[%dma_start3A_51, %dma_start3A_57] : memref<4x256xi32, #tpu.memory_space<vmem>> -> memref<1x16xi32, #tpu.memory_space<vmem>>
    %dma_start3A_59 = tpu.memref_squeeze %dma_start3A_58 : memref<1x16xi32, #tpu.memory_space<vmem>> -> memref<16xi32, #tpu.memory_space<vmem>>
    %dma_start3A_60 = arith.constant 0 : i32
    %dma_start3A_61 = arith.constant 0 : i32
    %dma_start3A_62 = tpu.memref_slice %arg3[%dma_start3A_60, %dma_start3A_61] : memref<100000x1024xf32, #tpu.memory_space<hbm>> -> memref<100000x1024xf32, #tpu.memory_space<hbm>>
    tpu.enqueue_indirect_dma source(%dma_start3A_62 : memref<100000x1024xf32, #tpu.memory_space<hbm>>) target(%dma_start3A_56 : memref<16x1024xf32, #tpu.memory_space<vmem>>) offsets(%dma_start3A_59 : memref<16xi32, #tpu.memory_space<vmem>>) semaphore(%arg9 : memref<!tpu.dma_semaphore, #tpu.memory_space<semaphore_mem>>)
    %scan3A = arith.constant 0 : i32
    %scan3A_63 = arith.constant 0 : i32
    %scan3A_64 = arith.constant 8 : i32
    %scan3A_65 = arith.addi %scan3A_63, %scan3A_64 : i32
    %scan3A_66 = arith.constant 1 : i32
    %scan3A_67 = scf.for %scan3A_99 = %scan3A_63 to %scan3A_65 step %scan3A_66 iter_args(%scan3A_100 = %scan3A) -> (i32)  : i32 {
      %mul3A_101 = arith.constant 2 : i32
      %mul3A_102 = arith.muli %mul3A_101, %scan3A_99 : i32
      %add3A_103 = arith.constant 0 : i32
      %add3A_104 = arith.addi %mul3A_102, %add3A_103 : i32
      %gt3A = arith.constant 0 : i32
      %gt3A_105 = arith.cmpi sgt, %scan3A_99, %gt3A : i32
      %convert_element_type3A = arith.extui %gt3A_105 : i1 to i32
      %cond3A = arith.constant 0 : i32
      %cond3A_106 = arith.cmpi ne, %convert_element_type3A, %cond3A : i32
      scf.if %cond3A_106 {
        %dma_wait3A_681 = arith.constant 2 : i32
        %dma_wait3A_682 = arith.constant 0 : i32
        %dma_wait3A_683 = arith.constant 0 : i32
        %dma_wait3A_684 = tpu.memref_slice %arg7[%dma_wait3A_681, %dma_wait3A_682, %dma_wait3A_683] : memref<4x16x1024xf32, #tpu.memory_space<vmem>> -> memref<1x16x1024xf32, #tpu.memory_space<vmem>>
        %dma_wait3A_685 = tpu.memref_squeeze %dma_wait3A_684 : memref<1x16x1024xf32, #tpu.memory_space<vmem>> -> memref<16x1024xf32, #tpu.memory_space<vmem>>
        %dma_wait3A_686 = arith.constant 0 : i32
        %dma_wait3A_687 = arith.constant 0 : i32
        %dma_wait3A_688 = tpu.memref_slice %arg4[%dma_wait3A_686, %dma_wait3A_687] : memref<8192x1024xf32, #tpu.memory_space<hbm>> -> memref<16x1024xf32, #tpu.memory_space<hbm>>
        %dma_wait3A_689 = arith.constant 0 : i32
        %dma_wait3A_690 = arith.constant 0 : i32
        %dma_wait3A_691 = tpu.memref_slice %arg7[%dma_wait3A_681, %dma_wait3A_689, %dma_wait3A_690] : memref<4x16x1024xf32, #tpu.memory_space<vmem>> -> memref<1x16x1024xf32, #tpu.memory_space<vmem>>
        %dma_wait3A_692 = tpu.memref_squeeze %dma_wait3A_691 : memref<1x16x1024xf32, #tpu.memory_space<vmem>> -> memref<16x1024xf32, #tpu.memory_space<vmem>>
        %dma_wait3A_693 = arith.constant 0 : i32
        %dma_wait3A_694 = arith.constant 0 : i32
        %dma_wait3A_695 = tpu.memref_slice %arg4[%dma_wait3A_693, %dma_wait3A_694] : memref<8192x1024xf32, #tpu.memory_space<hbm>> -> memref<16x1024xf32, #tpu.memory_space<hbm>>
        tpu.wait_dma2 semaphore(%arg10 : memref<!tpu.dma_semaphore, #tpu.memory_space<semaphore_mem>>) src(%dma_wait3A_695 : memref<16x1024xf32, #tpu.memory_space<hbm>>) dst(%dma_wait3A_692 : memref<16x1024xf32, #tpu.memory_space<vmem>>)
      } else {
      }
      %mul3A_107 = arith.constant 2 : i32
      %mul3A_108 = arith.muli %mul3A_107, %scan3A_99 : i32
      %add3A_109 = arith.constant 0 : i32
      %add3A_110 = arith.addi %mul3A_108, %add3A_109 : i32
      %mul3A_111 = arith.constant 16 : i32
      %mul3A_112 = arith.muli %add3A_110, %mul3A_111 : i32
      %dma_start3A_113 = arith.constant 2 : i32
      %dma_start3A_114 = arith.constant 2 : i32
      %dma_start3A_115 = arith.constant 0 : i32
      %dma_start3A_116 = arith.constant 0 : i32
      %dma_start3A_117 = tpu.memref_slice %arg7[%dma_start3A_114, %dma_start3A_115, %dma_start3A_116] : memref<4x16x1024xf32, #tpu.memory_space<vmem>> -> memref<1x16x1024xf32, #tpu.memory_space<vmem>>
      %dma_start3A_118 = tpu.memref_squeeze %dma_start3A_117 : memref<1x16x1024xf32, #tpu.memory_space<vmem>> -> memref<16x1024xf32, #tpu.memory_space<vmem>>
      %dma_start3A_119 = tpu.memref_slice %arg6[%dma_start3A_113, %mul3A_112] : memref<4x256xi32, #tpu.memory_space<vmem>> -> memref<1x16xi32, #tpu.memory_space<vmem>>
      %dma_start3A_120 = tpu.memref_squeeze %dma_start3A_119 : memref<1x16xi32, #tpu.memory_space<vmem>> -> memref<16xi32, #tpu.memory_space<vmem>>
      %dma_start3A_121 = arith.constant 0 : i32
      %dma_start3A_122 = arith.constant 0 : i32
      %dma_start3A_123 = tpu.memref_slice %arg3[%dma_start3A_121, %dma_start3A_122] : memref<100000x1024xf32, #tpu.memory_space<hbm>> -> memref<100000x1024xf32, #tpu.memory_space<hbm>>
      tpu.enqueue_indirect_dma source(%dma_start3A_123 : memref<100000x1024xf32, #tpu.memory_space<hbm>>) target(%dma_start3A_118 : memref<16x1024xf32, #tpu.memory_space<vmem>>) offsets(%dma_start3A_120 : memref<16xi32, #tpu.memory_space<vmem>>) semaphore(%arg9 : memref<!tpu.dma_semaphore, #tpu.memory_space<semaphore_mem>>)
      %dma_wait3A_124 = arith.constant 0 : i32
      %dma_wait3A_125 = arith.constant 0 : i32
      %dma_wait3A_126 = arith.constant 0 : i32
      %dma_wait3A_127 = tpu.memref_slice %arg7[%dma_wait3A_124, %dma_wait3A_125, %dma_wait3A_126] : memref<4x16x1024xf32, #tpu.memory_space<vmem>> -> memref<1x16x1024xf32, #tpu.memory_space<vmem>>
      %dma_wait3A_128 = tpu.memref_squeeze %dma_wait3A_127 : memref<1x16x1024xf32, #tpu.memory_space<vmem>> -> memref<16x1024xf32, #tpu.memory_space<vmem>>
      %dma_wait3A_129 = arith.constant 0 : i32
      %dma_wait3A_130 = arith.constant 0 : i32
      %dma_wait3A_131 = tpu.memref_slice %arg4[%dma_wait3A_129, %dma_wait3A_130] : memref<8192x1024xf32, #tpu.memory_space<hbm>> -> memref<16x1024xf32, #tpu.memory_space<hbm>>
      %dma_wait3A_132 = arith.constant 0 : i32
      %dma_wait3A_133 = arith.constant 0 : i32
      %dma_wait3A_134 = tpu.memref_slice %arg7[%dma_wait3A_124, %dma_wait3A_132, %dma_wait3A_133] : memref<4x16x1024xf32, #tpu.memory_space<vmem>> -> memref<1x16x1024xf32, #tpu.memory_space<vmem>>
      %dma_wait3A_135 = tpu.memref_squeeze %dma_wait3A_134 : memref<1x16x1024xf32, #tpu.memory_space<vmem>> -> memref<16x1024xf32, #tpu.memory_space<vmem>>
      %dma_wait3A_136 = arith.constant 0 : i32
      %dma_wait3A_137 = arith.constant 0 : i32
      %dma_wait3A_138 = tpu.memref_slice %arg4[%dma_wait3A_136, %dma_wait3A_137] : memref<8192x1024xf32, #tpu.memory_space<hbm>> -> memref<16x1024xf32, #tpu.memory_space<hbm>>
      tpu.wait_dma2 semaphore(%arg9 : memref<!tpu.dma_semaphore, #tpu.memory_space<semaphore_mem>>) src(%dma_wait3A_138 : memref<16x1024xf32, #tpu.memory_space<hbm>>) dst(%dma_wait3A_135 : memref<16x1024xf32, #tpu.memory_space<vmem>>)
      %dma_wait3A_139 = arith.constant 0 : i32
      %dma_wait3A_140 = arith.constant 0 : i32
      %dma_wait3A_141 = arith.constant 0 : i32
      %dma_wait3A_142 = tpu.memref_slice %arg8[%dma_wait3A_139, %dma_wait3A_140, %dma_wait3A_141] : memref<2x16x1024xf32, #tpu.memory_space<vmem>> -> memref<1x16x1024xf32, #tpu.memory_space<vmem>>
      %dma_wait3A_143 = tpu.memref_squeeze %dma_wait3A_142 : memref<1x16x1024xf32, #tpu.memory_space<vmem>> -> memref<16x1024xf32, #tpu.memory_space<vmem>>
      %dma_wait3A_144 = arith.constant 0 : i32
      %dma_wait3A_145 = arith.constant 0 : i32
      %dma_wait3A_146 = tpu.memref_slice %arg4[%dma_wait3A_144, %dma_wait3A_145] : memref<8192x1024xf32, #tpu.memory_space<hbm>> -> memref<16x1024xf32, #tpu.memory_space<hbm>>
      %dma_wait3A_147 = arith.constant 0 : i32
      %dma_wait3A_148 = arith.constant 0 : i32
      %dma_wait3A_149 = tpu.memref_slice %arg8[%dma_wait3A_139, %dma_wait3A_147, %dma_wait3A_148] : memref<2x16x1024xf32, #tpu.memory_space<vmem>> -> memref<1x16x1024xf32, #tpu.memory_space<vmem>>
      %dma_wait3A_150 = tpu.memref_squeeze %dma_wait3A_149 : memref<1x16x1024xf32, #tpu.memory_space<vmem>> -> memref<16x1024xf32, #tpu.memory_space<vmem>>
      %dma_wait3A_151 = arith.constant 0 : i32
      %dma_wait3A_152 = arith.constant 0 : i32
      %dma_wait3A_153 = tpu.memref_slice %arg4[%dma_wait3A_151, %dma_wait3A_152] : memref<8192x1024xf32, #tpu.memory_space<hbm>> -> memref<16x1024xf32, #tpu.memory_space<hbm>>
      tpu.wait_dma2 semaphore(%arg11 : memref<!tpu.dma_semaphore, #tpu.memory_space<semaphore_mem>>) src(%dma_wait3A_153 : memref<16x1024xf32, #tpu.memory_space<hbm>>) dst(%dma_wait3A_150 : memref<16x1024xf32, #tpu.memory_space<vmem>>)
      %parallel_loop3A = arith.constant 0 : i32
      %parallel_loop3A_154 = arith.constant 1024 : i32
      %parallel_loop3A_155 = arith.constant 1 : i32
      scf.for %parallel_loop3A_681 = %parallel_loop3A to %parallel_loop3A_154 step %parallel_loop3A_155  : i32 {
        %parallel_loop3A_682 = arith.constant 64 : i32
        %parallel_loop3A_683 = arith.divsi %parallel_loop3A_681, %parallel_loop3A_682 : i32
        %parallel_loop3A_684 = arith.constant 0 : i32
        %parallel_loop3A_685 = arith.cmpi sgt, %parallel_loop3A_681, %parallel_loop3A_684 : i32
        %parallel_loop3A_686 = arith.extui %parallel_loop3A_685 : i1 to i32
        %parallel_loop3A_687 = arith.constant 0 : i32
        %parallel_loop3A_688 = arith.cmpi slt, %parallel_loop3A_681, %parallel_loop3A_687 : i32
        %parallel_loop3A_689 = arith.extui %parallel_loop3A_688 : i1 to i32
        %parallel_loop3A_690 = arith.subi %parallel_loop3A_686, %parallel_loop3A_689 : i32
        %parallel_loop3A_691 = arith.constant 0 : i32
        %parallel_loop3A_692 = arith.cmpi sgt, %parallel_loop3A_682, %parallel_loop3A_691 : i32
        %parallel_loop3A_693 = arith.extui %parallel_loop3A_692 : i1 to i32
        %parallel_loop3A_694 = arith.constant 0 : i32
        %parallel_loop3A_695 = arith.cmpi slt, %parallel_loop3A_682, %parallel_loop3A_694 : i32
        %parallel_loop3A_696 = arith.extui %parallel_loop3A_695 : i1 to i32
        %parallel_loop3A_697 = arith.subi %parallel_loop3A_693, %parallel_loop3A_696 : i32
        %parallel_loop3A_698 = arith.cmpi ne, %parallel_loop3A_690, %parallel_loop3A_697 : i32
        %parallel_loop3A_699 = arith.remsi %parallel_loop3A_681, %parallel_loop3A_682 : i32
        %parallel_loop3A_700 = arith.constant 0 : i32
        %parallel_loop3A_701 = arith.cmpi ne, %parallel_loop3A_699, %parallel_loop3A_700 : i32
        %parallel_loop3A_702 = arith.andi %parallel_loop3A_698, %parallel_loop3A_701 : i1
        %parallel_loop3A_703 = arith.constant 1 : i32
        %parallel_loop3A_704 = arith.subi %parallel_loop3A_683, %parallel_loop3A_703 : i32
        %parallel_loop3A_705 = arith.select %parallel_loop3A_702, %parallel_loop3A_704, %parallel_loop3A_683 : i32
        %parallel_loop3A_706 = arith.constant 64 : i32
        %parallel_loop3A_707 = arith.constant 0 : i32
        %parallel_loop3A_708 = arith.cmpi eq, %parallel_loop3A_706, %parallel_loop3A_707 : i32
        %parallel_loop3A_709 = arith.constant 1 : i32
        %parallel_loop3A_710 = arith.select %parallel_loop3A_708, %parallel_loop3A_709, %parallel_loop3A_706 : i32
        %parallel_loop3A_711 = arith.remsi %parallel_loop3A_681, %parallel_loop3A_710 : i32
        %parallel_loop3A_712 = arith.constant 0 : i32
        %parallel_loop3A_713 = arith.cmpi ne, %parallel_loop3A_711, %parallel_loop3A_712 : i32
        %parallel_loop3A_714 = arith.constant 0 : i32
        %parallel_loop3A_715 = arith.cmpi slt, %parallel_loop3A_711, %parallel_loop3A_714 : i32
        %parallel_loop3A_716 = arith.constant 0 : i32
        %parallel_loop3A_717 = arith.cmpi slt, %parallel_loop3A_710, %parallel_loop3A_716 : i32
        %parallel_loop3A_718 = arith.xori %parallel_loop3A_715, %parallel_loop3A_717 : i1
        %parallel_loop3A_719 = arith.andi %parallel_loop3A_718, %parallel_loop3A_713 : i1
        %parallel_loop3A_720 = arith.addi %parallel_loop3A_711, %parallel_loop3A_710 : i32
        %parallel_loop3A_721 = arith.select %parallel_loop3A_719, %parallel_loop3A_720, %parallel_loop3A_711 : i32
        %parallel_loop3A_722 = arith.constant 16 : i32
        %parallel_loop3A_723 = arith.muli %parallel_loop3A_721, %parallel_loop3A_722 : i32
        %parallel_loop3A_724 = arith.constant 0 : i32
        %parallel_loop3A_725 = arith.index_cast %parallel_loop3A_724 : i32 to index
        %parallel_loop3A_726 = arith.index_cast %parallel_loop3A_705 : i32 to index
        %parallel_loop3A_727 = arith.index_cast %parallel_loop3A_723 : i32 to index
        %parallel_loop3A_728 = tpu.vector_load %arg8[%parallel_loop3A_725, %parallel_loop3A_726, %parallel_loop3A_727] {strides = array<i32>} : memref<2x16x1024xf32, #tpu.memory_space<vmem>>, vector<1x1x16xf32>,
        %parallel_loop3A_729 = vector.shape_cast %parallel_loop3A_728 : vector<1x1x16xf32> to vector<16xf32>
        %parallel_loop3A_730 = arith.constant 0 : i32
        %parallel_loop3A_731 = arith.index_cast %parallel_loop3A_730 : i32 to index
        %parallel_loop3A_732 = arith.index_cast %parallel_loop3A_705 : i32 to index
        %parallel_loop3A_733 = arith.index_cast %parallel_loop3A_723 : i32 to index
        %parallel_loop3A_734 = tpu.vector_load %arg7[%parallel_loop3A_731, %parallel_loop3A_732, %parallel_loop3A_733] {strides = array<i32>} : memref<4x16x1024xf32, #tpu.memory_space<vmem>>, vector<1x1x16xf32>,
        %parallel_loop3A_735 = vector.shape_cast %parallel_loop3A_734 : vector<1x1x16xf32> to vector<16xf32>
        %parallel_loop3A_736 = vector.shape_cast %parallel_loop3A_729 : vector<16xf32> to vector<1x1x16xf32>
        tpu.vector_store %arg7[%parallel_loop3A_731, %parallel_loop3A_732, %parallel_loop3A_733], %parallel_loop3A_736 {add = true, strides = array<i32>} : memref<4x16x1024xf32, #tpu.memory_space<vmem>>, vector<1x1x16xf32>,
      } {sc.loop_unroll_factor = 8 : i64, sc.parallel_access}
      %add3A_156 = arith.constant 0 : i32
      %add3A_157 = arith.addi %add3A_156, %mul3A_2 : i32
      %mul3A_158 = arith.constant 16 : i32
      %mul3A_159 = arith.muli %add3A_104, %mul3A_158 : i32
      %add3A_160 = arith.addi %add3A_157, %mul3A_159 : i32
      %dma_start3A_161 = arith.constant 0 : i32
      %dma_start3A_162 = arith.constant 0 : i32
      %dma_start3A_163 = arith.constant 0 : i32
      %dma_start3A_164 = tpu.memref_slice %arg7[%dma_start3A_161, %dma_start3A_162, %dma_start3A_163] : memref<4x16x1024xf32, #tpu.memory_space<vmem>> -> memref<1x16x1024xf32, #tpu.memory_space<vmem>>
      %dma_start3A_165 = tpu.memref_squeeze %dma_start3A_164 : memref<1x16x1024xf32, #tpu.memory_space<vmem>> -> memref<16x1024xf32, #tpu.memory_space<vmem>>
      %dma_start3A_166 = arith.constant 0 : i32
      %dma_start3A_167 = tpu.memref_slice %arg5[%add3A_160, %dma_start3A_166] : memref<32768x1024xf32, #tpu.memory_space<hbm>> -> memref<16x1024xf32, #tpu.memory_space<hbm>>
      %dma_start3A_168 = arith.constant 0 : i32
      %dma_start3A_169 = tpu.memref_slice %arg5[%add3A_160, %dma_start3A_168] : memref<32768x1024xf32, #tpu.memory_space<hbm>> -> memref<16x1024xf32, #tpu.memory_space<hbm>>
      %dma_start3A_170 = arith.constant 0 : i32
      %dma_start3A_171 = arith.constant 0 : i32
      %dma_start3A_172 = tpu.memref_slice %arg7[%dma_start3A_161, %dma_start3A_170, %dma_start3A_171] : memref<4x16x1024xf32, #tpu.memory_space<vmem>> -> memref<1x16x1024xf32, #tpu.memory_space<vmem>>
      %dma_start3A_173 = tpu.memref_squeeze %dma_start3A_172 : memref<1x16x1024xf32, #tpu.memory_space<vmem>> -> memref<16x1024xf32, #tpu.memory_space<vmem>>
      tpu.enqueue_dma source(%dma_start3A_173 : memref<16x1024xf32, #tpu.memory_space<vmem>>) target(%dma_start3A_169 : memref<16x1024xf32, #tpu.memory_space<hbm>>) target_semaphore(%arg10 : memref<!tpu.dma_semaphore, #tpu.memory_space<semaphore_mem>>)
      %mul3A_174 = arith.constant 2 : i32
      %mul3A_175 = arith.muli %mul3A_174, %scan3A_99 : i32
      %add3A_176 = arith.constant 0 : i32
      %add3A_177 = arith.addi %mul3A_175, %add3A_176 : i32
      %gt3A_178 = arith.constant 0 : i32
      %gt3A_179 = arith.cmpi sgt, %scan3A_99, %gt3A_178 : i32
      %convert_element_type3A_180 = arith.extui %gt3A_179 : i1 to i32
      %cond3A_181 = arith.constant 0 : i32
      %cond3A_182 = arith.cmpi ne, %convert_element_type3A_180, %cond3A_181 : i32
      scf.if %cond3A_182 {
        %dma_wait3A_681 = arith.constant 3 : i32
        %dma_wait3A_682 = arith.constant 0 : i32
        %dma_wait3A_683 = arith.constant 0 : i32
        %dma_wait3A_684 = tpu.memref_slice %arg7[%dma_wait3A_681, %dma_wait3A_682, %dma_wait3A_683] : memref<4x16x1024xf32, #tpu.memory_space<vmem>> -> memref<1x16x1024xf32, #tpu.memory_space<vmem>>
        %dma_wait3A_685 = tpu.memref_squeeze %dma_wait3A_684 : memref<1x16x1024xf32, #tpu.memory_space<vmem>> -> memref<16x1024xf32, #tpu.memory_space<vmem>>
        %dma_wait3A_686 = arith.constant 0 : i32
        %dma_wait3A_687 = arith.constant 0 : i32
        %dma_wait3A_688 = tpu.memref_slice %arg4[%dma_wait3A_686, %dma_wait3A_687] : memref<8192x1024xf32, #tpu.memory_space<hbm>> -> memref<16x1024xf32, #tpu.memory_space<hbm>>
        %dma_wait3A_689 = arith.constant 0 : i32
        %dma_wait3A_690 = arith.constant 0 : i32
        %dma_wait3A_691 = tpu.memref_slice %arg7[%dma_wait3A_681, %dma_wait3A_689, %dma_wait3A_690] : memref<4x16x1024xf32, #tpu.memory_space<vmem>> -> memref<1x16x1024xf32, #tpu.memory_space<vmem>>
        %dma_wait3A_692 = tpu.memref_squeeze %dma_wait3A_691 : memref<1x16x1024xf32, #tpu.memory_space<vmem>> -> memref<16x1024xf32, #tpu.memory_space<vmem>>
        %dma_wait3A_693 = arith.constant 0 : i32
        %dma_wait3A_694 = arith.constant 0 : i32
        %dma_wait3A_695 = tpu.memref_slice %arg4[%dma_wait3A_693, %dma_wait3A_694] : memref<8192x1024xf32, #tpu.memory_space<hbm>> -> memref<16x1024xf32, #tpu.memory_space<hbm>>
        tpu.wait_dma2 semaphore(%arg10 : memref<!tpu.dma_semaphore, #tpu.memory_space<semaphore_mem>>) src(%dma_wait3A_695 : memref<16x1024xf32, #tpu.memory_space<hbm>>) dst(%dma_wait3A_692 : memref<16x1024xf32, #tpu.memory_space<vmem>>)
      } else {
      }
      %mul3A_183 = arith.constant 2 : i32
      %mul3A_184 = arith.muli %mul3A_183, %scan3A_99 : i32
      %add3A_185 = arith.constant 0 : i32
      %add3A_186 = arith.addi %mul3A_184, %add3A_185 : i32
      %mul3A_187 = arith.constant 16 : i32
      %mul3A_188 = arith.muli %add3A_186, %mul3A_187 : i32
      %dma_start3A_189 = arith.constant 3 : i32
      %dma_start3A_190 = arith.constant 3 : i32
      %dma_start3A_191 = arith.constant 0 : i32
      %dma_start3A_192 = arith.constant 0 : i32
      %dma_start3A_193 = tpu.memref_slice %arg7[%dma_start3A_190, %dma_start3A_191, %dma_start3A_192] : memref<4x16x1024xf32, #tpu.memory_space<vmem>> -> memref<1x16x1024xf32, #tpu.memory_space<vmem>>
      %dma_start3A_194 = tpu.memref_squeeze %dma_start3A_193 : memref<1x16x1024xf32, #tpu.memory_space<vmem>> -> memref<16x1024xf32, #tpu.memory_space<vmem>>
      %dma_start3A_195 = tpu.memref_slice %arg6[%dma_start3A_189, %mul3A_188] : memref<4x256xi32, #tpu.memory_space<vmem>> -> memref<1x16xi32, #tpu.memory_space<vmem>>
      %dma_start3A_196 = tpu.memref_squeeze %dma_start3A_195 : memref<1x16xi32, #tpu.memory_space<vmem>> -> memref<16xi32, #tpu.memory_space<vmem>>
      %dma_start3A_197 = arith.constant 0 : i32
      %dma_start3A_198 = arith.constant 0 : i32
      %dma_start3A_199 = tpu.memref_slice %arg3[%dma_start3A_197, %dma_start3A_198] : memref<100000x1024xf32, #tpu.memory_space<hbm>> -> memref<100000x1024xf32, #tpu.memory_space<hbm>>
      tpu.enqueue_indirect_dma source(%dma_start3A_199 : memref<100000x1024xf32, #tpu.memory_space<hbm>>) target(%dma_start3A_194 : memref<16x1024xf32, #tpu.memory_space<vmem>>) offsets(%dma_start3A_196 : memref<16xi32, #tpu.memory_space<vmem>>) semaphore(%arg9 : memref<!tpu.dma_semaphore, #tpu.memory_space<semaphore_mem>>)
      %dma_wait3A_200 = arith.constant 1 : i32
      %dma_wait3A_201 = arith.constant 0 : i32
      %dma_wait3A_202 = arith.constant 0 : i32
      %dma_wait3A_203 = tpu.memref_slice %arg7[%dma_wait3A_200, %dma_wait3A_201, %dma_wait3A_202] : memref<4x16x1024xf32, #tpu.memory_space<vmem>> -> memref<1x16x1024xf32, #tpu.memory_space<vmem>>
      %dma_wait3A_204 = tpu.memref_squeeze %dma_wait3A_203 : memref<1x16x1024xf32, #tpu.memory_space<vmem>> -> memref<16x1024xf32, #tpu.memory_space<vmem>>
      %dma_wait3A_205 = arith.constant 0 : i32
      %dma_wait3A_206 = arith.constant 0 : i32
      %dma_wait3A_207 = tpu.memref_slice %arg4[%dma_wait3A_205, %dma_wait3A_206] : memref<8192x1024xf32, #tpu.memory_space<hbm>> -> memref<16x1024xf32, #tpu.memory_space<hbm>>
      %dma_wait3A_208 = arith.constant 0 : i32
      %dma_wait3A_209 = arith.constant 0 : i32
      %dma_wait3A_210 = tpu.memref_slice %arg7[%dma_wait3A_200, %dma_wait3A_208, %dma_wait3A_209] : memref<4x16x1024xf32, #tpu.memory_space<vmem>> -> memref<1x16x1024xf32, #tpu.memory_space<vmem>>
      %dma_wait3A_211 = tpu.memref_squeeze %dma_wait3A_210 : memref<1x16x1024xf32, #tpu.memory_space<vmem>> -> memref<16x1024xf32, #tpu.memory_space<vmem>>
      %dma_wait3A_212 = arith.constant 0 : i32
      %dma_wait3A_213 = arith.constant 0 : i32
      %dma_wait3A_214 = tpu.memref_slice %arg4[%dma_wait3A_212, %dma_wait3A_213] : memref<8192x1024xf32, #tpu.memory_space<hbm>> -> memref<16x1024xf32, #tpu.memory_space<hbm>>
      tpu.wait_dma2 semaphore(%arg9 : memref<!tpu.dma_semaphore, #tpu.memory_space<semaphore_mem>>) src(%dma_wait3A_214 : memref<16x1024xf32, #tpu.memory_space<hbm>>) dst(%dma_wait3A_211 : memref<16x1024xf32, #tpu.memory_space<vmem>>)
      %parallel_loop3A_215 = arith.constant 0 : i32
      %parallel_loop3A_216 = arith.constant 1024 : i32
      %parallel_loop3A_217 = arith.constant 1 : i32
      scf.for %parallel_loop3A_681 = %parallel_loop3A_215 to %parallel_loop3A_216 step %parallel_loop3A_217  : i32 {
        %parallel_loop3A_682 = arith.constant 64 : i32
        %parallel_loop3A_683 = arith.divsi %parallel_loop3A_681, %parallel_loop3A_682 : i32
        %parallel_loop3A_684 = arith.constant 0 : i32
        %parallel_loop3A_685 = arith.cmpi sgt, %parallel_loop3A_681, %parallel_loop3A_684 : i32
        %parallel_loop3A_686 = arith.extui %parallel_loop3A_685 : i1 to i32
        %parallel_loop3A_687 = arith.constant 0 : i32
        %parallel_loop3A_688 = arith.cmpi slt, %parallel_loop3A_681, %parallel_loop3A_687 : i32
        %parallel_loop3A_689 = arith.extui %parallel_loop3A_688 : i1 to i32
        %parallel_loop3A_690 = arith.subi %parallel_loop3A_686, %parallel_loop3A_689 : i32
        %parallel_loop3A_691 = arith.constant 0 : i32
        %parallel_loop3A_692 = arith.cmpi sgt, %parallel_loop3A_682, %parallel_loop3A_691 : i32
        %parallel_loop3A_693 = arith.extui %parallel_loop3A_692 : i1 to i32
        %parallel_loop3A_694 = arith.constant 0 : i32
        %parallel_loop3A_695 = arith.cmpi slt, %parallel_loop3A_682, %parallel_loop3A_694 : i32
        %parallel_loop3A_696 = arith.extui %parallel_loop3A_695 : i1 to i32
        %parallel_loop3A_697 = arith.subi %parallel_loop3A_693, %parallel_loop3A_696 : i32
        %parallel_loop3A_698 = arith.cmpi ne, %parallel_loop3A_690, %parallel_loop3A_697 : i32
        %parallel_loop3A_699 = arith.remsi %parallel_loop3A_681, %parallel_loop3A_682 : i32
        %parallel_loop3A_700 = arith.constant 0 : i32
        %parallel_loop3A_701 = arith.cmpi ne, %parallel_loop3A_699, %parallel_loop3A_700 : i32
        %parallel_loop3A_702 = arith.andi %parallel_loop3A_698, %parallel_loop3A_701 : i1
        %parallel_loop3A_703 = arith.constant 1 : i32
        %parallel_loop3A_704 = arith.subi %parallel_loop3A_683, %parallel_loop3A_703 : i32
        %parallel_loop3A_705 = arith.select %parallel_loop3A_702, %parallel_loop3A_704, %parallel_loop3A_683 : i32
        %parallel_loop3A_706 = arith.constant 64 : i32
        %parallel_loop3A_707 = arith.constant 0 : i32
        %parallel_loop3A_708 = arith.cmpi eq, %parallel_loop3A_706, %parallel_loop3A_707 : i32
        %parallel_loop3A_709 = arith.constant 1 : i32
        %parallel_loop3A_710 = arith.select %parallel_loop3A_708, %parallel_loop3A_709, %parallel_loop3A_706 : i32
        %parallel_loop3A_711 = arith.remsi %parallel_loop3A_681, %parallel_loop3A_710 : i32
        %parallel_loop3A_712 = arith.constant 0 : i32
        %parallel_loop3A_713 = arith.cmpi ne, %parallel_loop3A_711, %parallel_loop3A_712 : i32
        %parallel_loop3A_714 = arith.constant 0 : i32
        %parallel_loop3A_715 = arith.cmpi slt, %parallel_loop3A_711, %parallel_loop3A_714 : i32
        %parallel_loop3A_716 = arith.constant 0 : i32
        %parallel_loop3A_717 = arith.cmpi slt, %parallel_loop3A_710, %parallel_loop3A_716 : i32
        %parallel_loop3A_718 = arith.xori %parallel_loop3A_715, %parallel_loop3A_717 : i1
        %parallel_loop3A_719 = arith.andi %parallel_loop3A_718, %parallel_loop3A_713 : i1
        %parallel_loop3A_720 = arith.addi %parallel_loop3A_711, %parallel_loop3A_710 : i32
        %parallel_loop3A_721 = arith.select %parallel_loop3A_719, %parallel_loop3A_720, %parallel_loop3A_711 : i32
        %parallel_loop3A_722 = arith.constant 16 : i32
        %parallel_loop3A_723 = arith.muli %parallel_loop3A_721, %parallel_loop3A_722 : i32
        %parallel_loop3A_724 = arith.constant 0 : i32
        %parallel_loop3A_725 = arith.index_cast %parallel_loop3A_724 : i32 to index
        %parallel_loop3A_726 = arith.index_cast %parallel_loop3A_705 : i32 to index
        %parallel_loop3A_727 = arith.index_cast %parallel_loop3A_723 : i32 to index
        %parallel_loop3A_728 = tpu.vector_load %arg8[%parallel_loop3A_725, %parallel_loop3A_726, %parallel_loop3A_727] {strides = array<i32>} : memref<2x16x1024xf32, #tpu.memory_space<vmem>>, vector<1x1x16xf32>,
        %parallel_loop3A_729 = vector.shape_cast %parallel_loop3A_728 : vector<1x1x16xf32> to vector<16xf32>
        %parallel_loop3A_730 = arith.constant 1 : i32
        %parallel_loop3A_731 = arith.index_cast %parallel_loop3A_730 : i32 to index
        %parallel_loop3A_732 = arith.index_cast %parallel_loop3A_705 : i32 to index
        %parallel_loop3A_733 = arith.index_cast %parallel_loop3A_723 : i32 to index
        %parallel_loop3A_734 = tpu.vector_load %arg7[%parallel_loop3A_731, %parallel_loop3A_732, %parallel_loop3A_733] {strides = array<i32>} : memref<4x16x1024xf32, #tpu.memory_space<vmem>>, vector<1x1x16xf32>,
        %parallel_loop3A_735 = vector.shape_cast %parallel_loop3A_734 : vector<1x1x16xf32> to vector<16xf32>
        %parallel_loop3A_736 = vector.shape_cast %parallel_loop3A_729 : vector<16xf32> to vector<1x1x16xf32>
        tpu.vector_store %arg7[%parallel_loop3A_731, %parallel_loop3A_732, %parallel_loop3A_733], %parallel_loop3A_736 {add = true, strides = array<i32>} : memref<4x16x1024xf32, #tpu.memory_space<vmem>>, vector<1x1x16xf32>,
      } {sc.loop_unroll_factor = 8 : i64, sc.parallel_access}
      %add3A_218 = arith.constant 8192 : i32
      %add3A_219 = arith.addi %add3A_218, %mul3A_2 : i32
      %mul3A_220 = arith.constant 16 : i32
      %mul3A_221 = arith.muli %add3A_177, %mul3A_220 : i32
      %add3A_222 = arith.addi %add3A_219, %mul3A_221 : i32
      %dma_start3A_223 = arith.constant 1 : i32
      %dma_start3A_224 = arith.constant 0 : i32
      %dma_start3A_225 = arith.constant 0 : i32
      %dma_start3A_226 = tpu.memref_slice %arg7[%dma_start3A_223, %dma_start3A_224, %dma_start3A_225] : memref<4x16x1024xf32, #tpu.memory_space<vmem>> -> memref<1x16x1024xf32, #tpu.memory_space<vmem>>
      %dma_start3A_227 = tpu.memref_squeeze %dma_start3A_226 : memref<1x16x1024xf32, #tpu.memory_space<vmem>> -> memref<16x1024xf32, #tpu.memory_space<vmem>>
      %dma_start3A_228 = arith.constant 0 : i32
      %dma_start3A_229 = tpu.memref_slice %arg5[%add3A_222, %dma_start3A_228] : memref<32768x1024xf32, #tpu.memory_space<hbm>> -> memref<16x1024xf32, #tpu.memory_space<hbm>>
      %dma_start3A_230 = arith.constant 0 : i32
      %dma_start3A_231 = tpu.memref_slice %arg5[%add3A_222, %dma_start3A_230] : memref<32768x1024xf32, #tpu.memory_space<hbm>> -> memref<16x1024xf32, #tpu.memory_space<hbm>>
      %dma_start3A_232 = arith.constant 0 : i32
      %dma_start3A_233 = arith.constant 0 : i32
      %dma_start3A_234 = tpu.memref_slice %arg7[%dma_start3A_223, %dma_start3A_232, %dma_start3A_233] : memref<4x16x1024xf32, #tpu.memory_space<vmem>> -> memref<1x16x1024xf32, #tpu.memory_space<vmem>>
      %dma_start3A_235 = tpu.memref_squeeze %dma_start3A_234 : memref<1x16x1024xf32, #tpu.memory_space<vmem>> -> memref<16x1024xf32, #tpu.memory_space<vmem>>
      tpu.enqueue_dma source(%dma_start3A_235 : memref<16x1024xf32, #tpu.memory_space<vmem>>) target(%dma_start3A_231 : memref<16x1024xf32, #tpu.memory_space<hbm>>) target_semaphore(%arg10 : memref<!tpu.dma_semaphore, #tpu.memory_space<semaphore_mem>>)
      %mul3A_236 = arith.constant 2 : i32
      %mul3A_237 = arith.muli %mul3A_236, %scan3A_99 : i32
      %add3A_238 = arith.constant 0 : i32
      %add3A_239 = arith.addi %mul3A_237, %add3A_238 : i32
      %dma_wait3A_240 = arith.constant 0 : i32
      %dma_wait3A_241 = arith.constant 0 : i32
      %dma_wait3A_242 = arith.constant 0 : i32
      %dma_wait3A_243 = tpu.memref_slice %arg7[%dma_wait3A_240, %dma_wait3A_241, %dma_wait3A_242] : memref<4x16x1024xf32, #tpu.memory_space<vmem>> -> memref<1x16x1024xf32, #tpu.memory_space<vmem>>
      %dma_wait3A_244 = tpu.memref_squeeze %dma_wait3A_243 : memref<1x16x1024xf32, #tpu.memory_space<vmem>> -> memref<16x1024xf32, #tpu.memory_space<vmem>>
      %dma_wait3A_245 = arith.constant 0 : i32
      %dma_wait3A_246 = arith.constant 0 : i32
      %dma_wait3A_247 = tpu.memref_slice %arg4[%dma_wait3A_245, %dma_wait3A_246] : memref<8192x1024xf32, #tpu.memory_space<hbm>> -> memref<16x1024xf32, #tpu.memory_space<hbm>>
      %dma_wait3A_248 = arith.constant 0 : i32
      %dma_wait3A_249 = arith.constant 0 : i32
      %dma_wait3A_250 = tpu.memref_slice %arg7[%dma_wait3A_240, %dma_wait3A_248, %dma_wait3A_249] : memref<4x16x1024xf32, #tpu.memory_space<vmem>> -> memref<1x16x1024xf32, #tpu.memory_space<vmem>>
      %dma_wait3A_251 = tpu.memref_squeeze %dma_wait3A_250 : memref<1x16x1024xf32, #tpu.memory_space<vmem>> -> memref<16x1024xf32, #tpu.memory_space<vmem>>
      %dma_wait3A_252 = arith.constant 0 : i32
      %dma_wait3A_253 = arith.constant 0 : i32
      %dma_wait3A_254 = tpu.memref_slice %arg4[%dma_wait3A_252, %dma_wait3A_253] : memref<8192x1024xf32, #tpu.memory_space<hbm>> -> memref<16x1024xf32, #tpu.memory_space<hbm>>
      tpu.wait_dma2 semaphore(%arg10 : memref<!tpu.dma_semaphore, #tpu.memory_space<semaphore_mem>>) src(%dma_wait3A_254 : memref<16x1024xf32, #tpu.memory_space<hbm>>) dst(%dma_wait3A_251 : memref<16x1024xf32, #tpu.memory_space<vmem>>)
      %mul3A_255 = arith.constant 2 : i32
      %mul3A_256 = arith.muli %mul3A_255, %scan3A_99 : i32
      %add3A_257 = arith.constant 1 : i32
      %add3A_258 = arith.addi %mul3A_256, %add3A_257 : i32
      %mul3A_259 = arith.constant 16 : i32
      %mul3A_260 = arith.muli %add3A_258, %mul3A_259 : i32
      %dma_start3A_261 = arith.constant 0 : i32
      %dma_start3A_262 = arith.constant 0 : i32
      %dma_start3A_263 = arith.constant 0 : i32
      %dma_start3A_264 = arith.constant 0 : i32
      %dma_start3A_265 = tpu.memref_slice %arg7[%dma_start3A_262, %dma_start3A_263, %dma_start3A_264] : memref<4x16x1024xf32, #tpu.memory_space<vmem>> -> memref<1x16x1024xf32, #tpu.memory_space<vmem>>
      %dma_start3A_266 = tpu.memref_squeeze %dma_start3A_265 : memref<1x16x1024xf32, #tpu.memory_space<vmem>> -> memref<16x1024xf32, #tpu.memory_space<vmem>>
      %dma_start3A_267 = tpu.memref_slice %arg6[%dma_start3A_261, %mul3A_260] : memref<4x256xi32, #tpu.memory_space<vmem>> -> memref<1x16xi32, #tpu.memory_space<vmem>>
      %dma_start3A_268 = tpu.memref_squeeze %dma_start3A_267 : memref<1x16xi32, #tpu.memory_space<vmem>> -> memref<16xi32, #tpu.memory_space<vmem>>
      %dma_start3A_269 = arith.constant 0 : i32
      %dma_start3A_270 = arith.constant 0 : i32
      %dma_start3A_271 = tpu.memref_slice %arg3[%dma_start3A_269, %dma_start3A_270] : memref<100000x1024xf32, #tpu.memory_space<hbm>> -> memref<100000x1024xf32, #tpu.memory_space<hbm>>
      tpu.enqueue_indirect_dma source(%dma_start3A_271 : memref<100000x1024xf32, #tpu.memory_space<hbm>>) target(%dma_start3A_266 : memref<16x1024xf32, #tpu.memory_space<vmem>>) offsets(%dma_start3A_268 : memref<16xi32, #tpu.memory_space<vmem>>) semaphore(%arg9 : memref<!tpu.dma_semaphore, #tpu.memory_space<semaphore_mem>>)
      %dma_wait3A_272 = arith.constant 2 : i32
      %dma_wait3A_273 = arith.constant 0 : i32
      %dma_wait3A_274 = arith.constant 0 : i32
      %dma_wait3A_275 = tpu.memref_slice %arg7[%dma_wait3A_272, %dma_wait3A_273, %dma_wait3A_274] : memref<4x16x1024xf32, #tpu.memory_space<vmem>> -> memref<1x16x1024xf32, #tpu.memory_space<vmem>>
      %dma_wait3A_276 = tpu.memref_squeeze %dma_wait3A_275 : memref<1x16x1024xf32, #tpu.memory_space<vmem>> -> memref<16x1024xf32, #tpu.memory_space<vmem>>
      %dma_wait3A_277 = arith.constant 0 : i32
      %dma_wait3A_278 = arith.constant 0 : i32
      %dma_wait3A_279 = tpu.memref_slice %arg4[%dma_wait3A_277, %dma_wait3A_278] : memref<8192x1024xf32, #tpu.memory_space<hbm>> -> memref<16x1024xf32, #tpu.memory_space<hbm>>
      %dma_wait3A_280 = arith.constant 0 : i32
      %dma_wait3A_281 = arith.constant 0 : i32
      %dma_wait3A_282 = tpu.memref_slice %arg7[%dma_wait3A_272, %dma_wait3A_280, %dma_wait3A_281] : memref<4x16x1024xf32, #tpu.memory_space<vmem>> -> memref<1x16x1024xf32, #tpu.memory_space<vmem>>
      %dma_wait3A_283 = tpu.memref_squeeze %dma_wait3A_282 : memref<1x16x1024xf32, #tpu.memory_space<vmem>> -> memref<16x1024xf32, #tpu.memory_space<vmem>>
      %dma_wait3A_284 = arith.constant 0 : i32
      %dma_wait3A_285 = arith.constant 0 : i32
      %dma_wait3A_286 = tpu.memref_slice %arg4[%dma_wait3A_284, %dma_wait3A_285] : memref<8192x1024xf32, #tpu.memory_space<hbm>> -> memref<16x1024xf32, #tpu.memory_space<hbm>>
      tpu.wait_dma2 semaphore(%arg9 : memref<!tpu.dma_semaphore, #tpu.memory_space<semaphore_mem>>) src(%dma_wait3A_286 : memref<16x1024xf32, #tpu.memory_space<hbm>>) dst(%dma_wait3A_283 : memref<16x1024xf32, #tpu.memory_space<vmem>>)
      %parallel_loop3A_287 = arith.constant 0 : i32
      %parallel_loop3A_288 = arith.constant 1024 : i32
      %parallel_loop3A_289 = arith.constant 1 : i32
      scf.for %parallel_loop3A_681 = %parallel_loop3A_287 to %parallel_loop3A_288 step %parallel_loop3A_289  : i32 {
        %parallel_loop3A_682 = arith.constant 64 : i32
        %parallel_loop3A_683 = arith.divsi %parallel_loop3A_681, %parallel_loop3A_682 : i32
        %parallel_loop3A_684 = arith.constant 0 : i32
        %parallel_loop3A_685 = arith.cmpi sgt, %parallel_loop3A_681, %parallel_loop3A_684 : i32
        %parallel_loop3A_686 = arith.extui %parallel_loop3A_685 : i1 to i32
        %parallel_loop3A_687 = arith.constant 0 : i32
        %parallel_loop3A_688 = arith.cmpi slt, %parallel_loop3A_681, %parallel_loop3A_687 : i32
        %parallel_loop3A_689 = arith.extui %parallel_loop3A_688 : i1 to i32
        %parallel_loop3A_690 = arith.subi %parallel_loop3A_686, %parallel_loop3A_689 : i32
        %parallel_loop3A_691 = arith.constant 0 : i32
        %parallel_loop3A_692 = arith.cmpi sgt, %parallel_loop3A_682, %parallel_loop3A_691 : i32
        %parallel_loop3A_693 = arith.extui %parallel_loop3A_692 : i1 to i32
        %parallel_loop3A_694 = arith.constant 0 : i32
        %parallel_loop3A_695 = arith.cmpi slt, %parallel_loop3A_682, %parallel_loop3A_694 : i32
        %parallel_loop3A_696 = arith.extui %parallel_loop3A_695 : i1 to i32
        %parallel_loop3A_697 = arith.subi %parallel_loop3A_693, %parallel_loop3A_696 : i32
        %parallel_loop3A_698 = arith.cmpi ne, %parallel_loop3A_690, %parallel_loop3A_697 : i32
        %parallel_loop3A_699 = arith.remsi %parallel_loop3A_681, %parallel_loop3A_682 : i32
        %parallel_loop3A_700 = arith.constant 0 : i32
        %parallel_loop3A_701 = arith.cmpi ne, %parallel_loop3A_699, %parallel_loop3A_700 : i32
        %parallel_loop3A_702 = arith.andi %parallel_loop3A_698, %parallel_loop3A_701 : i1
        %parallel_loop3A_703 = arith.constant 1 : i32
        %parallel_loop3A_704 = arith.subi %parallel_loop3A_683, %parallel_loop3A_703 : i32
        %parallel_loop3A_705 = arith.select %parallel_loop3A_702, %parallel_loop3A_704, %parallel_loop3A_683 : i32
        %parallel_loop3A_706 = arith.constant 64 : i32
        %parallel_loop3A_707 = arith.constant 0 : i32
        %parallel_loop3A_708 = arith.cmpi eq, %parallel_loop3A_706, %parallel_loop3A_707 : i32
        %parallel_loop3A_709 = arith.constant 1 : i32
        %parallel_loop3A_710 = arith.select %parallel_loop3A_708, %parallel_loop3A_709, %parallel_loop3A_706 : i32
        %parallel_loop3A_711 = arith.remsi %parallel_loop3A_681, %parallel_loop3A_710 : i32
        %parallel_loop3A_712 = arith.constant 0 : i32
        %parallel_loop3A_713 = arith.cmpi ne, %parallel_loop3A_711, %parallel_loop3A_712 : i32
        %parallel_loop3A_714 = arith.constant 0 : i32
        %parallel_loop3A_715 = arith.cmpi slt, %parallel_loop3A_711, %parallel_loop3A_714 : i32
        %parallel_loop3A_716 = arith.constant 0 : i32
        %parallel_loop3A_717 = arith.cmpi slt, %parallel_loop3A_710, %parallel_loop3A_716 : i32
        %parallel_loop3A_718 = arith.xori %parallel_loop3A_715, %parallel_loop3A_717 : i1
        %parallel_loop3A_719 = arith.andi %parallel_loop3A_718, %parallel_loop3A_713 : i1
        %parallel_loop3A_720 = arith.addi %parallel_loop3A_711, %parallel_loop3A_710 : i32
        %parallel_loop3A_721 = arith.select %parallel_loop3A_719, %parallel_loop3A_720, %parallel_loop3A_711 : i32
        %parallel_loop3A_722 = arith.constant 16 : i32
        %parallel_loop3A_723 = arith.muli %parallel_loop3A_721, %parallel_loop3A_722 : i32
        %parallel_loop3A_724 = arith.constant 0 : i32
        %parallel_loop3A_725 = arith.index_cast %parallel_loop3A_724 : i32 to index
        %parallel_loop3A_726 = arith.index_cast %parallel_loop3A_705 : i32 to index
        %parallel_loop3A_727 = arith.index_cast %parallel_loop3A_723 : i32 to index
        %parallel_loop3A_728 = tpu.vector_load %arg8[%parallel_loop3A_725, %parallel_loop3A_726, %parallel_loop3A_727] {strides = array<i32>} : memref<2x16x1024xf32, #tpu.memory_space<vmem>>, vector<1x1x16xf32>,
        %parallel_loop3A_729 = vector.shape_cast %parallel_loop3A_728 : vector<1x1x16xf32> to vector<16xf32>
        %parallel_loop3A_730 = arith.constant 2 : i32
        %parallel_loop3A_731 = arith.index_cast %parallel_loop3A_730 : i32 to index
        %parallel_loop3A_732 = arith.index_cast %parallel_loop3A_705 : i32 to index
        %parallel_loop3A_733 = arith.index_cast %parallel_loop3A_723 : i32 to index
        %parallel_loop3A_734 = tpu.vector_load %arg7[%parallel_loop3A_731, %parallel_loop3A_732, %parallel_loop3A_733] {strides = array<i32>} : memref<4x16x1024xf32, #tpu.memory_space<vmem>>, vector<1x1x16xf32>,
        %parallel_loop3A_735 = vector.shape_cast %parallel_loop3A_734 : vector<1x1x16xf32> to vector<16xf32>
        %parallel_loop3A_736 = vector.shape_cast %parallel_loop3A_729 : vector<16xf32> to vector<1x1x16xf32>
        tpu.vector_store %arg7[%parallel_loop3A_731, %parallel_loop3A_732, %parallel_loop3A_733], %parallel_loop3A_736 {add = true, strides = array<i32>} : memref<4x16x1024xf32, #tpu.memory_space<vmem>>, vector<1x1x16xf32>,
      } {sc.loop_unroll_factor = 8 : i64, sc.parallel_access}
      %add3A_290 = arith.constant 16384 : i32
      %add3A_291 = arith.addi %add3A_290, %mul3A_2 : i32
      %mul3A_292 = arith.constant 16 : i32
      %mul3A_293 = arith.muli %add3A_239, %mul3A_292 : i32
      %add3A_294 = arith.addi %add3A_291, %mul3A_293 : i32
      %dma_start3A_295 = arith.constant 2 : i32
      %dma_start3A_296 = arith.constant 0 : i32
      %dma_start3A_297 = arith.constant 0 : i32
      %dma_start3A_298 = tpu.memref_slice %arg7[%dma_start3A_295, %dma_start3A_296, %dma_start3A_297] : memref<4x16x1024xf32, #tpu.memory_space<vmem>> -> memref<1x16x1024xf32, #tpu.memory_space<vmem>>
      %dma_start3A_299 = tpu.memref_squeeze %dma_start3A_298 : memref<1x16x1024xf32, #tpu.memory_space<vmem>> -> memref<16x1024xf32, #tpu.memory_space<vmem>>
      %dma_start3A_300 = arith.constant 0 : i32
      %dma_start3A_301 = tpu.memref_slice %arg5[%add3A_294, %dma_start3A_300] : memref<32768x1024xf32, #tpu.memory_space<hbm>> -> memref<16x1024xf32, #tpu.memory_space<hbm>>
      %dma_start3A_302 = arith.constant 0 : i32
      %dma_start3A_303 = tpu.memref_slice %arg5[%add3A_294, %dma_start3A_302] : memref<32768x1024xf32, #tpu.memory_space<hbm>> -> memref<16x1024xf32, #tpu.memory_space<hbm>>
      %dma_start3A_304 = arith.constant 0 : i32
      %dma_start3A_305 = arith.constant 0 : i32
      %dma_start3A_306 = tpu.memref_slice %arg7[%dma_start3A_295, %dma_start3A_304, %dma_start3A_305] : memref<4x16x1024xf32, #tpu.memory_space<vmem>> -> memref<1x16x1024xf32, #tpu.memory_space<vmem>>
      %dma_start3A_307 = tpu.memref_squeeze %dma_start3A_306 : memref<1x16x1024xf32, #tpu.memory_space<vmem>> -> memref<16x1024xf32, #tpu.memory_space<vmem>>
      tpu.enqueue_dma source(%dma_start3A_307 : memref<16x1024xf32, #tpu.memory_space<vmem>>) target(%dma_start3A_303 : memref<16x1024xf32, #tpu.memory_space<hbm>>) target_semaphore(%arg10 : memref<!tpu.dma_semaphore, #tpu.memory_space<semaphore_mem>>)
      %mul3A_308 = arith.constant 2 : i32
      %mul3A_309 = arith.muli %mul3A_308, %scan3A_99 : i32
      %add3A_310 = arith.constant 0 : i32
      %add3A_311 = arith.addi %mul3A_309, %add3A_310 : i32
      %dma_wait3A_312 = arith.constant 1 : i32
      %dma_wait3A_313 = arith.constant 0 : i32
      %dma_wait3A_314 = arith.constant 0 : i32
      %dma_wait3A_315 = tpu.memref_slice %arg7[%dma_wait3A_312, %dma_wait3A_313, %dma_wait3A_314] : memref<4x16x1024xf32, #tpu.memory_space<vmem>> -> memref<1x16x1024xf32, #tpu.memory_space<vmem>>
      %dma_wait3A_316 = tpu.memref_squeeze %dma_wait3A_315 : memref<1x16x1024xf32, #tpu.memory_space<vmem>> -> memref<16x1024xf32, #tpu.memory_space<vmem>>
      %dma_wait3A_317 = arith.constant 0 : i32
      %dma_wait3A_318 = arith.constant 0 : i32
      %dma_wait3A_319 = tpu.memref_slice %arg4[%dma_wait3A_317, %dma_wait3A_318] : memref<8192x1024xf32, #tpu.memory_space<hbm>> -> memref<16x1024xf32, #tpu.memory_space<hbm>>
      %dma_wait3A_320 = arith.constant 0 : i32
      %dma_wait3A_321 = arith.constant 0 : i32
      %dma_wait3A_322 = tpu.memref_slice %arg7[%dma_wait3A_312, %dma_wait3A_320, %dma_wait3A_321] : memref<4x16x1024xf32, #tpu.memory_space<vmem>> -> memref<1x16x1024xf32, #tpu.memory_space<vmem>>
      %dma_wait3A_323 = tpu.memref_squeeze %dma_wait3A_322 : memref<1x16x1024xf32, #tpu.memory_space<vmem>> -> memref<16x1024xf32, #tpu.memory_space<vmem>>
      %dma_wait3A_324 = arith.constant 0 : i32
      %dma_wait3A_325 = arith.constant 0 : i32
      %dma_wait3A_326 = tpu.memref_slice %arg4[%dma_wait3A_324, %dma_wait3A_325] : memref<8192x1024xf32, #tpu.memory_space<hbm>> -> memref<16x1024xf32, #tpu.memory_space<hbm>>
      tpu.wait_dma2 semaphore(%arg10 : memref<!tpu.dma_semaphore, #tpu.memory_space<semaphore_mem>>) src(%dma_wait3A_326 : memref<16x1024xf32, #tpu.memory_space<hbm>>) dst(%dma_wait3A_323 : memref<16x1024xf32, #tpu.memory_space<vmem>>)
      %mul3A_327 = arith.constant 2 : i32
      %mul3A_328 = arith.muli %mul3A_327, %scan3A_99 : i32
      %add3A_329 = arith.constant 1 : i32
      %add3A_330 = arith.addi %mul3A_328, %add3A_329 : i32
      %mul3A_331 = arith.constant 16 : i32
      %mul3A_332 = arith.muli %add3A_330, %mul3A_331 : i32
      %dma_start3A_333 = arith.constant 1 : i32
      %dma_start3A_334 = arith.constant 1 : i32
      %dma_start3A_335 = arith.constant 0 : i32
      %dma_start3A_336 = arith.constant 0 : i32
      %dma_start3A_337 = tpu.memref_slice %arg7[%dma_start3A_334, %dma_start3A_335, %dma_start3A_336] : memref<4x16x1024xf32, #tpu.memory_space<vmem>> -> memref<1x16x1024xf32, #tpu.memory_space<vmem>>
      %dma_start3A_338 = tpu.memref_squeeze %dma_start3A_337 : memref<1x16x1024xf32, #tpu.memory_space<vmem>> -> memref<16x1024xf32, #tpu.memory_space<vmem>>
      %dma_start3A_339 = tpu.memref_slice %arg6[%dma_start3A_333, %mul3A_332] : memref<4x256xi32, #tpu.memory_space<vmem>> -> memref<1x16xi32, #tpu.memory_space<vmem>>
      %dma_start3A_340 = tpu.memref_squeeze %dma_start3A_339 : memref<1x16xi32, #tpu.memory_space<vmem>> -> memref<16xi32, #tpu.memory_space<vmem>>
      %dma_start3A_341 = arith.constant 0 : i32
      %dma_start3A_342 = arith.constant 0 : i32
      %dma_start3A_343 = tpu.memref_slice %arg3[%dma_start3A_341, %dma_start3A_342] : memref<100000x1024xf32, #tpu.memory_space<hbm>> -> memref<100000x1024xf32, #tpu.memory_space<hbm>>
      tpu.enqueue_indirect_dma source(%dma_start3A_343 : memref<100000x1024xf32, #tpu.memory_space<hbm>>) target(%dma_start3A_338 : memref<16x1024xf32, #tpu.memory_space<vmem>>) offsets(%dma_start3A_340 : memref<16xi32, #tpu.memory_space<vmem>>) semaphore(%arg9 : memref<!tpu.dma_semaphore, #tpu.memory_space<semaphore_mem>>)
      %dma_wait3A_344 = arith.constant 3 : i32
      %dma_wait3A_345 = arith.constant 0 : i32
      %dma_wait3A_346 = arith.constant 0 : i32
      %dma_wait3A_347 = tpu.memref_slice %arg7[%dma_wait3A_344, %dma_wait3A_345, %dma_wait3A_346] : memref<4x16x1024xf32, #tpu.memory_space<vmem>> -> memref<1x16x1024xf32, #tpu.memory_space<vmem>>
      %dma_wait3A_348 = tpu.memref_squeeze %dma_wait3A_347 : memref<1x16x1024xf32, #tpu.memory_space<vmem>> -> memref<16x1024xf32, #tpu.memory_space<vmem>>
      %dma_wait3A_349 = arith.constant 0 : i32
      %dma_wait3A_350 = arith.constant 0 : i32
      %dma_wait3A_351 = tpu.memref_slice %arg4[%dma_wait3A_349, %dma_wait3A_350] : memref<8192x1024xf32, #tpu.memory_space<hbm>> -> memref<16x1024xf32, #tpu.memory_space<hbm>>
      %dma_wait3A_352 = arith.constant 0 : i32
      %dma_wait3A_353 = arith.constant 0 : i32
      %dma_wait3A_354 = tpu.memref_slice %arg7[%dma_wait3A_344, %dma_wait3A_352, %dma_wait3A_353] : memref<4x16x1024xf32, #tpu.memory_space<vmem>> -> memref<1x16x1024xf32, #tpu.memory_space<vmem>>
      %dma_wait3A_355 = tpu.memref_squeeze %dma_wait3A_354 : memref<1x16x1024xf32, #tpu.memory_space<vmem>> -> memref<16x1024xf32, #tpu.memory_space<vmem>>
      %dma_wait3A_356 = arith.constant 0 : i32
      %dma_wait3A_357 = arith.constant 0 : i32
      %dma_wait3A_358 = tpu.memref_slice %arg4[%dma_wait3A_356, %dma_wait3A_357] : memref<8192x1024xf32, #tpu.memory_space<hbm>> -> memref<16x1024xf32, #tpu.memory_space<hbm>>
      tpu.wait_dma2 semaphore(%arg9 : memref<!tpu.dma_semaphore, #tpu.memory_space<semaphore_mem>>) src(%dma_wait3A_358 : memref<16x1024xf32, #tpu.memory_space<hbm>>) dst(%dma_wait3A_355 : memref<16x1024xf32, #tpu.memory_space<vmem>>)
      %parallel_loop3A_359 = arith.constant 0 : i32
      %parallel_loop3A_360 = arith.constant 1024 : i32
      %parallel_loop3A_361 = arith.constant 1 : i32
      scf.for %parallel_loop3A_681 = %parallel_loop3A_359 to %parallel_loop3A_360 step %parallel_loop3A_361  : i32 {
        %parallel_loop3A_682 = arith.constant 64 : i32
        %parallel_loop3A_683 = arith.divsi %parallel_loop3A_681, %parallel_loop3A_682 : i32
        %parallel_loop3A_684 = arith.constant 0 : i32
        %parallel_loop3A_685 = arith.cmpi sgt, %parallel_loop3A_681, %parallel_loop3A_684 : i32
        %parallel_loop3A_686 = arith.extui %parallel_loop3A_685 : i1 to i32
        %parallel_loop3A_687 = arith.constant 0 : i32
        %parallel_loop3A_688 = arith.cmpi slt, %parallel_loop3A_681, %parallel_loop3A_687 : i32
        %parallel_loop3A_689 = arith.extui %parallel_loop3A_688 : i1 to i32
        %parallel_loop3A_690 = arith.subi %parallel_loop3A_686, %parallel_loop3A_689 : i32
        %parallel_loop3A_691 = arith.constant 0 : i32
        %parallel_loop3A_692 = arith.cmpi sgt, %parallel_loop3A_682, %parallel_loop3A_691 : i32
        %parallel_loop3A_693 = arith.extui %parallel_loop3A_692 : i1 to i32
        %parallel_loop3A_694 = arith.constant 0 : i32
        %parallel_loop3A_695 = arith.cmpi slt, %parallel_loop3A_682, %parallel_loop3A_694 : i32
        %parallel_loop3A_696 = arith.extui %parallel_loop3A_695 : i1 to i32
        %parallel_loop3A_697 = arith.subi %parallel_loop3A_693, %parallel_loop3A_696 : i32
        %parallel_loop3A_698 = arith.cmpi ne, %parallel_loop3A_690, %parallel_loop3A_697 : i32
        %parallel_loop3A_699 = arith.remsi %parallel_loop3A_681, %parallel_loop3A_682 : i32
        %parallel_loop3A_700 = arith.constant 0 : i32
        %parallel_loop3A_701 = arith.cmpi ne, %parallel_loop3A_699, %parallel_loop3A_700 : i32
        %parallel_loop3A_702 = arith.andi %parallel_loop3A_698, %parallel_loop3A_701 : i1
        %parallel_loop3A_703 = arith.constant 1 : i32
        %parallel_loop3A_704 = arith.subi %parallel_loop3A_683, %parallel_loop3A_703 : i32
        %parallel_loop3A_705 = arith.select %parallel_loop3A_702, %parallel_loop3A_704, %parallel_loop3A_683 : i32
        %parallel_loop3A_706 = arith.constant 64 : i32
        %parallel_loop3A_707 = arith.constant 0 : i32
        %parallel_loop3A_708 = arith.cmpi eq, %parallel_loop3A_706, %parallel_loop3A_707 : i32
        %parallel_loop3A_709 = arith.constant 1 : i32
        %parallel_loop3A_710 = arith.select %parallel_loop3A_708, %parallel_loop3A_709, %parallel_loop3A_706 : i32
        %parallel_loop3A_711 = arith.remsi %parallel_loop3A_681, %parallel_loop3A_710 : i32
        %parallel_loop3A_712 = arith.constant 0 : i32
        %parallel_loop3A_713 = arith.cmpi ne, %parallel_loop3A_711, %parallel_loop3A_712 : i32
        %parallel_loop3A_714 = arith.constant 0 : i32
        %parallel_loop3A_715 = arith.cmpi slt, %parallel_loop3A_711, %parallel_loop3A_714 : i32
        %parallel_loop3A_716 = arith.constant 0 : i32
        %parallel_loop3A_717 = arith.cmpi slt, %parallel_loop3A_710, %parallel_loop3A_716 : i32
        %parallel_loop3A_718 = arith.xori %parallel_loop3A_715, %parallel_loop3A_717 : i1
        %parallel_loop3A_719 = arith.andi %parallel_loop3A_718, %parallel_loop3A_713 : i1
        %parallel_loop3A_720 = arith.addi %parallel_loop3A_711, %parallel_loop3A_710 : i32
        %parallel_loop3A_721 = arith.select %parallel_loop3A_719, %parallel_loop3A_720, %parallel_loop3A_711 : i32
        %parallel_loop3A_722 = arith.constant 16 : i32
        %parallel_loop3A_723 = arith.muli %parallel_loop3A_721, %parallel_loop3A_722 : i32
        %parallel_loop3A_724 = arith.constant 0 : i32
        %parallel_loop3A_725 = arith.index_cast %parallel_loop3A_724 : i32 to index
        %parallel_loop3A_726 = arith.index_cast %parallel_loop3A_705 : i32 to index
        %parallel_loop3A_727 = arith.index_cast %parallel_loop3A_723 : i32 to index
        %parallel_loop3A_728 = tpu.vector_load %arg8[%parallel_loop3A_725, %parallel_loop3A_726, %parallel_loop3A_727] {strides = array<i32>} : memref<2x16x1024xf32, #tpu.memory_space<vmem>>, vector<1x1x16xf32>,
        %parallel_loop3A_729 = vector.shape_cast %parallel_loop3A_728 : vector<1x1x16xf32> to vector<16xf32>
        %parallel_loop3A_730 = arith.constant 3 : i32
        %parallel_loop3A_731 = arith.index_cast %parallel_loop3A_730 : i32 to index
        %parallel_loop3A_732 = arith.index_cast %parallel_loop3A_705 : i32 to index
        %parallel_loop3A_733 = arith.index_cast %parallel_loop3A_723 : i32 to index
        %parallel_loop3A_734 = tpu.vector_load %arg7[%parallel_loop3A_731, %parallel_loop3A_732, %parallel_loop3A_733] {strides = array<i32>} : memref<4x16x1024xf32, #tpu.memory_space<vmem>>, vector<1x1x16xf32>,
        %parallel_loop3A_735 = vector.shape_cast %parallel_loop3A_734 : vector<1x1x16xf32> to vector<16xf32>
        %parallel_loop3A_736 = vector.shape_cast %parallel_loop3A_729 : vector<16xf32> to vector<1x1x16xf32>
        tpu.vector_store %arg7[%parallel_loop3A_731, %parallel_loop3A_732, %parallel_loop3A_733], %parallel_loop3A_736 {add = true, strides = array<i32>} : memref<4x16x1024xf32, #tpu.memory_space<vmem>>, vector<1x1x16xf32>,
      } {sc.loop_unroll_factor = 8 : i64, sc.parallel_access}
      %add3A_362 = arith.constant 2 : i32
      %add3A_363 = arith.addi %add3A_311, %add3A_362 : i32
      %lt3A = arith.constant 16 : i32
      %lt3A_364 = arith.cmpi slt, %add3A_363, %lt3A : i32
      %convert_element_type3A_365 = arith.extui %lt3A_364 : i1 to i32
      %cond3A_366 = arith.constant 0 : i32
      %cond3A_367 = arith.cmpi ne, %convert_element_type3A_365, %cond3A_366 : i32
      scf.if %cond3A_367 {
        %add3A_681 = arith.constant 2 : i32
        %add3A_682 = arith.addi %add3A_311, %add3A_681 : i32
        %mul3A_683 = arith.constant 16 : i32
        %mul3A_684 = arith.muli %add3A_682, %mul3A_683 : i32
        %add3A_685 = arith.addi %mul3A_2, %mul3A_684 : i32
        %dma_start3A_686 = arith.constant 0 : i32
        %dma_start3A_687 = arith.constant 0 : i32
        %dma_start3A_688 = arith.constant 0 : i32
        %dma_start3A_689 = tpu.memref_slice %arg8[%dma_start3A_686, %dma_start3A_687, %dma_start3A_688] : memref<2x16x1024xf32, #tpu.memory_space<vmem>> -> memref<1x16x1024xf32, #tpu.memory_space<vmem>>
        %dma_start3A_690 = tpu.memref_squeeze %dma_start3A_689 : memref<1x16x1024xf32, #tpu.memory_space<vmem>> -> memref<16x1024xf32, #tpu.memory_space<vmem>>
        %dma_start3A_691 = arith.constant 0 : i32
        %dma_start3A_692 = tpu.memref_slice %arg4[%add3A_685, %dma_start3A_691] : memref<8192x1024xf32, #tpu.memory_space<hbm>> -> memref<16x1024xf32, #tpu.memory_space<hbm>>
        %dma_start3A_693 = arith.constant 0 : i32
        %dma_start3A_694 = arith.constant 0 : i32
        %dma_start3A_695 = tpu.memref_slice %arg8[%dma_start3A_686, %dma_start3A_693, %dma_start3A_694] : memref<2x16x1024xf32, #tpu.memory_space<vmem>> -> memref<1x16x1024xf32, #tpu.memory_space<vmem>>
        %dma_start3A_696 = tpu.memref_squeeze %dma_start3A_695 : memref<1x16x1024xf32, #tpu.memory_space<vmem>> -> memref<16x1024xf32, #tpu.memory_space<vmem>>
        %dma_start3A_697 = arith.constant 0 : i32
        %dma_start3A_698 = tpu.memref_slice %arg4[%add3A_685, %dma_start3A_697] : memref<8192x1024xf32, #tpu.memory_space<hbm>> -> memref<16x1024xf32, #tpu.memory_space<hbm>>
        tpu.enqueue_dma source(%dma_start3A_698 : memref<16x1024xf32, #tpu.memory_space<hbm>>) target(%dma_start3A_696 : memref<16x1024xf32, #tpu.memory_space<vmem>>) target_semaphore(%arg11 : memref<!tpu.dma_semaphore, #tpu.memory_space<semaphore_mem>>)
      } else {
      }
      %add3A_368 = arith.constant 24576 : i32
      %add3A_369 = arith.addi %add3A_368, %mul3A_2 : i32
      %mul3A_370 = arith.constant 16 : i32
      %mul3A_371 = arith.muli %add3A_311, %mul3A_370 : i32
      %add3A_372 = arith.addi %add3A_369, %mul3A_371 : i32
      %dma_start3A_373 = arith.constant 3 : i32
      %dma_start3A_374 = arith.constant 0 : i32
      %dma_start3A_375 = arith.constant 0 : i32
      %dma_start3A_376 = tpu.memref_slice %arg7[%dma_start3A_373, %dma_start3A_374, %dma_start3A_375] : memref<4x16x1024xf32, #tpu.memory_space<vmem>> -> memref<1x16x1024xf32, #tpu.memory_space<vmem>>
      %dma_start3A_377 = tpu.memref_squeeze %dma_start3A_376 : memref<1x16x1024xf32, #tpu.memory_space<vmem>> -> memref<16x1024xf32, #tpu.memory_space<vmem>>
      %dma_start3A_378 = arith.constant 0 : i32
      %dma_start3A_379 = tpu.memref_slice %arg5[%add3A_372, %dma_start3A_378] : memref<32768x1024xf32, #tpu.memory_space<hbm>> -> memref<16x1024xf32, #tpu.memory_space<hbm>>
      %dma_start3A_380 = arith.constant 0 : i32
      %dma_start3A_381 = tpu.memref_slice %arg5[%add3A_372, %dma_start3A_380] : memref<32768x1024xf32, #tpu.memory_space<hbm>> -> memref<16x1024xf32, #tpu.memory_space<hbm>>
      %dma_start3A_382 = arith.constant 0 : i32
      %dma_start3A_383 = arith.constant 0 : i32
      %dma_start3A_384 = tpu.memref_slice %arg7[%dma_start3A_373, %dma_start3A_382, %dma_start3A_383] : memref<4x16x1024xf32, #tpu.memory_space<vmem>> -> memref<1x16x1024xf32, #tpu.memory_space<vmem>>
      %dma_start3A_385 = tpu.memref_squeeze %dma_start3A_384 : memref<1x16x1024xf32, #tpu.memory_space<vmem>> -> memref<16x1024xf32, #tpu.memory_space<vmem>>
      tpu.enqueue_dma source(%dma_start3A_385 : memref<16x1024xf32, #tpu.memory_space<vmem>>) target(%dma_start3A_381 : memref<16x1024xf32, #tpu.memory_space<hbm>>) target_semaphore(%arg10 : memref<!tpu.dma_semaphore, #tpu.memory_space<semaphore_mem>>)
      %mul3A_386 = arith.constant 2 : i32
      %mul3A_387 = arith.muli %mul3A_386, %scan3A_99 : i32
      %add3A_388 = arith.constant 1 : i32
      %add3A_389 = arith.addi %mul3A_387, %add3A_388 : i32
      %dma_wait3A_390 = arith.constant 2 : i32
      %dma_wait3A_391 = arith.constant 0 : i32
      %dma_wait3A_392 = arith.constant 0 : i32
      %dma_wait3A_393 = tpu.memref_slice %arg7[%dma_wait3A_390, %dma_wait3A_391, %dma_wait3A_392] : memref<4x16x1024xf32, #tpu.memory_space<vmem>> -> memref<1x16x1024xf32, #tpu.memory_space<vmem>>
      %dma_wait3A_394 = tpu.memref_squeeze %dma_wait3A_393 : memref<1x16x1024xf32, #tpu.memory_space<vmem>> -> memref<16x1024xf32, #tpu.memory_space<vmem>>
      %dma_wait3A_395 = arith.constant 0 : i32
      %dma_wait3A_396 = arith.constant 0 : i32
      %dma_wait3A_397 = tpu.memref_slice %arg4[%dma_wait3A_395, %dma_wait3A_396] : memref<8192x1024xf32, #tpu.memory_space<hbm>> -> memref<16x1024xf32, #tpu.memory_space<hbm>>
      %dma_wait3A_398 = arith.constant 0 : i32
      %dma_wait3A_399 = arith.constant 0 : i32
      %dma_wait3A_400 = tpu.memref_slice %arg7[%dma_wait3A_390, %dma_wait3A_398, %dma_wait3A_399] : memref<4x16x1024xf32, #tpu.memory_space<vmem>> -> memref<1x16x1024xf32, #tpu.memory_space<vmem>>
      %dma_wait3A_401 = tpu.memref_squeeze %dma_wait3A_400 : memref<1x16x1024xf32, #tpu.memory_space<vmem>> -> memref<16x1024xf32, #tpu.memory_space<vmem>>
      %dma_wait3A_402 = arith.constant 0 : i32
      %dma_wait3A_403 = arith.constant 0 : i32
      %dma_wait3A_404 = tpu.memref_slice %arg4[%dma_wait3A_402, %dma_wait3A_403] : memref<8192x1024xf32, #tpu.memory_space<hbm>> -> memref<16x1024xf32, #tpu.memory_space<hbm>>
      tpu.wait_dma2 semaphore(%arg10 : memref<!tpu.dma_semaphore, #tpu.memory_space<semaphore_mem>>) src(%dma_wait3A_404 : memref<16x1024xf32, #tpu.memory_space<hbm>>) dst(%dma_wait3A_401 : memref<16x1024xf32, #tpu.memory_space<vmem>>)
      %mul3A_405 = arith.constant 2 : i32
      %mul3A_406 = arith.muli %mul3A_405, %scan3A_99 : i32
      %add3A_407 = arith.constant 1 : i32
      %add3A_408 = arith.addi %mul3A_406, %add3A_407 : i32
      %mul3A_409 = arith.constant 16 : i32
      %mul3A_410 = arith.muli %add3A_408, %mul3A_409 : i32
      %dma_start3A_411 = arith.constant 2 : i32
      %dma_start3A_412 = arith.constant 2 : i32
      %dma_start3A_413 = arith.constant 0 : i32
      %dma_start3A_414 = arith.constant 0 : i32
      %dma_start3A_415 = tpu.memref_slice %arg7[%dma_start3A_412, %dma_start3A_413, %dma_start3A_414] : memref<4x16x1024xf32, #tpu.memory_space<vmem>> -> memref<1x16x1024xf32, #tpu.memory_space<vmem>>
      %dma_start3A_416 = tpu.memref_squeeze %dma_start3A_415 : memref<1x16x1024xf32, #tpu.memory_space<vmem>> -> memref<16x1024xf32, #tpu.memory_space<vmem>>
      %dma_start3A_417 = tpu.memref_slice %arg6[%dma_start3A_411, %mul3A_410] : memref<4x256xi32, #tpu.memory_space<vmem>> -> memref<1x16xi32, #tpu.memory_space<vmem>>
      %dma_start3A_418 = tpu.memref_squeeze %dma_start3A_417 : memref<1x16xi32, #tpu.memory_space<vmem>> -> memref<16xi32, #tpu.memory_space<vmem>>
      %dma_start3A_419 = arith.constant 0 : i32
      %dma_start3A_420 = arith.constant 0 : i32
      %dma_start3A_421 = tpu.memref_slice %arg3[%dma_start3A_419, %dma_start3A_420] : memref<100000x1024xf32, #tpu.memory_space<hbm>> -> memref<100000x1024xf32, #tpu.memory_space<hbm>>
      tpu.enqueue_indirect_dma source(%dma_start3A_421 : memref<100000x1024xf32, #tpu.memory_space<hbm>>) target(%dma_start3A_416 : memref<16x1024xf32, #tpu.memory_space<vmem>>) offsets(%dma_start3A_418 : memref<16xi32, #tpu.memory_space<vmem>>) semaphore(%arg9 : memref<!tpu.dma_semaphore, #tpu.memory_space<semaphore_mem>>)
      %dma_wait3A_422 = arith.constant 0 : i32
      %dma_wait3A_423 = arith.constant 0 : i32
      %dma_wait3A_424 = arith.constant 0 : i32
      %dma_wait3A_425 = tpu.memref_slice %arg7[%dma_wait3A_422, %dma_wait3A_423, %dma_wait3A_424] : memref<4x16x1024xf32, #tpu.memory_space<vmem>> -> memref<1x16x1024xf32, #tpu.memory_space<vmem>>
      %dma_wait3A_426 = tpu.memref_squeeze %dma_wait3A_425 : memref<1x16x1024xf32, #tpu.memory_space<vmem>> -> memref<16x1024xf32, #tpu.memory_space<vmem>>
      %dma_wait3A_427 = arith.constant 0 : i32
      %dma_wait3A_428 = arith.constant 0 : i32
      %dma_wait3A_429 = tpu.memref_slice %arg4[%dma_wait3A_427, %dma_wait3A_428] : memref<8192x1024xf32, #tpu.memory_space<hbm>> -> memref<16x1024xf32, #tpu.memory_space<hbm>>
      %dma_wait3A_430 = arith.constant 0 : i32
      %dma_wait3A_431 = arith.constant 0 : i32
      %dma_wait3A_432 = tpu.memref_slice %arg7[%dma_wait3A_422, %dma_wait3A_430, %dma_wait3A_431] : memref<4x16x1024xf32, #tpu.memory_space<vmem>> -> memref<1x16x1024xf32, #tpu.memory_space<vmem>>
      %dma_wait3A_433 = tpu.memref_squeeze %dma_wait3A_432 : memref<1x16x1024xf32, #tpu.memory_space<vmem>> -> memref<16x1024xf32, #tpu.memory_space<vmem>>
      %dma_wait3A_434 = arith.constant 0 : i32
      %dma_wait3A_435 = arith.constant 0 : i32
      %dma_wait3A_436 = tpu.memref_slice %arg4[%dma_wait3A_434, %dma_wait3A_435] : memref<8192x1024xf32, #tpu.memory_space<hbm>> -> memref<16x1024xf32, #tpu.memory_space<hbm>>
      tpu.wait_dma2 semaphore(%arg9 : memref<!tpu.dma_semaphore, #tpu.memory_space<semaphore_mem>>) src(%dma_wait3A_436 : memref<16x1024xf32, #tpu.memory_space<hbm>>) dst(%dma_wait3A_433 : memref<16x1024xf32, #tpu.memory_space<vmem>>)
      %dma_wait3A_437 = arith.constant 1 : i32
      %dma_wait3A_438 = arith.constant 0 : i32
      %dma_wait3A_439 = arith.constant 0 : i32
      %dma_wait3A_440 = tpu.memref_slice %arg8[%dma_wait3A_437, %dma_wait3A_438, %dma_wait3A_439] : memref<2x16x1024xf32, #tpu.memory_space<vmem>> -> memref<1x16x1024xf32, #tpu.memory_space<vmem>>
      %dma_wait3A_441 = tpu.memref_squeeze %dma_wait3A_440 : memref<1x16x1024xf32, #tpu.memory_space<vmem>> -> memref<16x1024xf32, #tpu.memory_space<vmem>>
      %dma_wait3A_442 = arith.constant 0 : i32
      %dma_wait3A_443 = arith.constant 0 : i32
      %dma_wait3A_444 = tpu.memref_slice %arg4[%dma_wait3A_442, %dma_wait3A_443] : memref<8192x1024xf32, #tpu.memory_space<hbm>> -> memref<16x1024xf32, #tpu.memory_space<hbm>>
      %dma_wait3A_445 = arith.constant 0 : i32
      %dma_wait3A_446 = arith.constant 0 : i32
      %dma_wait3A_447 = tpu.memref_slice %arg8[%dma_wait3A_437, %dma_wait3A_445, %dma_wait3A_446] : memref<2x16x1024xf32, #tpu.memory_space<vmem>> -> memref<1x16x1024xf32, #tpu.memory_space<vmem>>
      %dma_wait3A_448 = tpu.memref_squeeze %dma_wait3A_447 : memref<1x16x1024xf32, #tpu.memory_space<vmem>> -> memref<16x1024xf32, #tpu.memory_space<vmem>>
      %dma_wait3A_449 = arith.constant 0 : i32
      %dma_wait3A_450 = arith.constant 0 : i32
      %dma_wait3A_451 = tpu.memref_slice %arg4[%dma_wait3A_449, %dma_wait3A_450] : memref<8192x1024xf32, #tpu.memory_space<hbm>> -> memref<16x1024xf32, #tpu.memory_space<hbm>>
      tpu.wait_dma2 semaphore(%arg11 : memref<!tpu.dma_semaphore, #tpu.memory_space<semaphore_mem>>) src(%dma_wait3A_451 : memref<16x1024xf32, #tpu.memory_space<hbm>>) dst(%dma_wait3A_448 : memref<16x1024xf32, #tpu.memory_space<vmem>>)
      %parallel_loop3A_452 = arith.constant 0 : i32
      %parallel_loop3A_453 = arith.constant 1024 : i32
      %parallel_loop3A_454 = arith.constant 1 : i32
      scf.for %parallel_loop3A_681 = %parallel_loop3A_452 to %parallel_loop3A_453 step %parallel_loop3A_454  : i32 {
        %parallel_loop3A_682 = arith.constant 64 : i32
        %parallel_loop3A_683 = arith.divsi %parallel_loop3A_681, %parallel_loop3A_682 : i32
        %parallel_loop3A_684 = arith.constant 0 : i32
        %parallel_loop3A_685 = arith.cmpi sgt, %parallel_loop3A_681, %parallel_loop3A_684 : i32
        %parallel_loop3A_686 = arith.extui %parallel_loop3A_685 : i1 to i32
        %parallel_loop3A_687 = arith.constant 0 : i32
        %parallel_loop3A_688 = arith.cmpi slt, %parallel_loop3A_681, %parallel_loop3A_687 : i32
        %parallel_loop3A_689 = arith.extui %parallel_loop3A_688 : i1 to i32
        %parallel_loop3A_690 = arith.subi %parallel_loop3A_686, %parallel_loop3A_689 : i32
        %parallel_loop3A_691 = arith.constant 0 : i32
        %parallel_loop3A_692 = arith.cmpi sgt, %parallel_loop3A_682, %parallel_loop3A_691 : i32
        %parallel_loop3A_693 = arith.extui %parallel_loop3A_692 : i1 to i32
        %parallel_loop3A_694 = arith.constant 0 : i32
        %parallel_loop3A_695 = arith.cmpi slt, %parallel_loop3A_682, %parallel_loop3A_694 : i32
        %parallel_loop3A_696 = arith.extui %parallel_loop3A_695 : i1 to i32
        %parallel_loop3A_697 = arith.subi %parallel_loop3A_693, %parallel_loop3A_696 : i32
        %parallel_loop3A_698 = arith.cmpi ne, %parallel_loop3A_690, %parallel_loop3A_697 : i32
        %parallel_loop3A_699 = arith.remsi %parallel_loop3A_681, %parallel_loop3A_682 : i32
        %parallel_loop3A_700 = arith.constant 0 : i32
        %parallel_loop3A_701 = arith.cmpi ne, %parallel_loop3A_699, %parallel_loop3A_700 : i32
        %parallel_loop3A_702 = arith.andi %parallel_loop3A_698, %parallel_loop3A_701 : i1
        %parallel_loop3A_703 = arith.constant 1 : i32
        %parallel_loop3A_704 = arith.subi %parallel_loop3A_683, %parallel_loop3A_703 : i32
        %parallel_loop3A_705 = arith.select %parallel_loop3A_702, %parallel_loop3A_704, %parallel_loop3A_683 : i32
        %parallel_loop3A_706 = arith.constant 64 : i32
        %parallel_loop3A_707 = arith.constant 0 : i32
        %parallel_loop3A_708 = arith.cmpi eq, %parallel_loop3A_706, %parallel_loop3A_707 : i32
        %parallel_loop3A_709 = arith.constant 1 : i32
        %parallel_loop3A_710 = arith.select %parallel_loop3A_708, %parallel_loop3A_709, %parallel_loop3A_706 : i32
        %parallel_loop3A_711 = arith.remsi %parallel_loop3A_681, %parallel_loop3A_710 : i32
        %parallel_loop3A_712 = arith.constant 0 : i32
        %parallel_loop3A_713 = arith.cmpi ne, %parallel_loop3A_711, %parallel_loop3A_712 : i32
        %parallel_loop3A_714 = arith.constant 0 : i32
        %parallel_loop3A_715 = arith.cmpi slt, %parallel_loop3A_711, %parallel_loop3A_714 : i32
        %parallel_loop3A_716 = arith.constant 0 : i32
        %parallel_loop3A_717 = arith.cmpi slt, %parallel_loop3A_710, %parallel_loop3A_716 : i32
        %parallel_loop3A_718 = arith.xori %parallel_loop3A_715, %parallel_loop3A_717 : i1
        %parallel_loop3A_719 = arith.andi %parallel_loop3A_718, %parallel_loop3A_713 : i1
        %parallel_loop3A_720 = arith.addi %parallel_loop3A_711, %parallel_loop3A_710 : i32
        %parallel_loop3A_721 = arith.select %parallel_loop3A_719, %parallel_loop3A_720, %parallel_loop3A_711 : i32
        %parallel_loop3A_722 = arith.constant 16 : i32
        %parallel_loop3A_723 = arith.muli %parallel_loop3A_721, %parallel_loop3A_722 : i32
        %parallel_loop3A_724 = arith.constant 1 : i32
        %parallel_loop3A_725 = arith.index_cast %parallel_loop3A_724 : i32 to index
        %parallel_loop3A_726 = arith.index_cast %parallel_loop3A_705 : i32 to index
        %parallel_loop3A_727 = arith.index_cast %parallel_loop3A_723 : i32 to index
        %parallel_loop3A_728 = tpu.vector_load %arg8[%parallel_loop3A_725, %parallel_loop3A_726, %parallel_loop3A_727] {strides = array<i32>} : memref<2x16x1024xf32, #tpu.memory_space<vmem>>, vector<1x1x16xf32>,
        %parallel_loop3A_729 = vector.shape_cast %parallel_loop3A_728 : vector<1x1x16xf32> to vector<16xf32>
        %parallel_loop3A_730 = arith.constant 0 : i32
        %parallel_loop3A_731 = arith.index_cast %parallel_loop3A_730 : i32 to index
        %parallel_loop3A_732 = arith.index_cast %parallel_loop3A_705 : i32 to index
        %parallel_loop3A_733 = arith.index_cast %parallel_loop3A_723 : i32 to index
        %parallel_loop3A_734 = tpu.vector_load %arg7[%parallel_loop3A_731, %parallel_loop3A_732, %parallel_loop3A_733] {strides = array<i32>} : memref<4x16x1024xf32, #tpu.memory_space<vmem>>, vector<1x1x16xf32>,
        %parallel_loop3A_735 = vector.shape_cast %parallel_loop3A_734 : vector<1x1x16xf32> to vector<16xf32>
        %parallel_loop3A_736 = vector.shape_cast %parallel_loop3A_729 : vector<16xf32> to vector<1x1x16xf32>
        tpu.vector_store %arg7[%parallel_loop3A_731, %parallel_loop3A_732, %parallel_loop3A_733], %parallel_loop3A_736 {add = true, strides = array<i32>} : memref<4x16x1024xf32, #tpu.memory_space<vmem>>, vector<1x1x16xf32>,
      } {sc.loop_unroll_factor = 8 : i64, sc.parallel_access}
      %add3A_455 = arith.constant 0 : i32
      %add3A_456 = arith.addi %add3A_455, %mul3A_2 : i32
      %mul3A_457 = arith.constant 16 : i32
      %mul3A_458 = arith.muli %add3A_389, %mul3A_457 : i32
      %add3A_459 = arith.addi %add3A_456, %mul3A_458 : i32
      %dma_start3A_460 = arith.constant 0 : i32
      %dma_start3A_461 = arith.constant 0 : i32
      %dma_start3A_462 = arith.constant 0 : i32
      %dma_start3A_463 = tpu.memref_slice %arg7[%dma_start3A_460, %dma_start3A_461, %dma_start3A_462] : memref<4x16x1024xf32, #tpu.memory_space<vmem>> -> memref<1x16x1024xf32, #tpu.memory_space<vmem>>
      %dma_start3A_464 = tpu.memref_squeeze %dma_start3A_463 : memref<1x16x1024xf32, #tpu.memory_space<vmem>> -> memref<16x1024xf32, #tpu.memory_space<vmem>>
      %dma_start3A_465 = arith.constant 0 : i32
      %dma_start3A_466 = tpu.memref_slice %arg5[%add3A_459, %dma_start3A_465] : memref<32768x1024xf32, #tpu.memory_space<hbm>> -> memref<16x1024xf32, #tpu.memory_space<hbm>>
      %dma_start3A_467 = arith.constant 0 : i32
      %dma_start3A_468 = tpu.memref_slice %arg5[%add3A_459, %dma_start3A_467] : memref<32768x1024xf32, #tpu.memory_space<hbm>> -> memref<16x1024xf32, #tpu.memory_space<hbm>>
      %dma_start3A_469 = arith.constant 0 : i32
      %dma_start3A_470 = arith.constant 0 : i32
      %dma_start3A_471 = tpu.memref_slice %arg7[%dma_start3A_460, %dma_start3A_469, %dma_start3A_470] : memref<4x16x1024xf32, #tpu.memory_space<vmem>> -> memref<1x16x1024xf32, #tpu.memory_space<vmem>>
      %dma_start3A_472 = tpu.memref_squeeze %dma_start3A_471 : memref<1x16x1024xf32, #tpu.memory_space<vmem>> -> memref<16x1024xf32, #tpu.memory_space<vmem>>
      tpu.enqueue_dma source(%dma_start3A_472 : memref<16x1024xf32, #tpu.memory_space<vmem>>) target(%dma_start3A_468 : memref<16x1024xf32, #tpu.memory_space<hbm>>) target_semaphore(%arg10 : memref<!tpu.dma_semaphore, #tpu.memory_space<semaphore_mem>>)
      %mul3A_473 = arith.constant 2 : i32
      %mul3A_474 = arith.muli %mul3A_473, %scan3A_99 : i32
      %add3A_475 = arith.constant 1 : i32
      %add3A_476 = arith.addi %mul3A_474, %add3A_475 : i32
      %dma_wait3A_477 = arith.constant 3 : i32
      %dma_wait3A_478 = arith.constant 0 : i32
      %dma_wait3A_479 = arith.constant 0 : i32
      %dma_wait3A_480 = tpu.memref_slice %arg7[%dma_wait3A_477, %dma_wait3A_478, %dma_wait3A_479] : memref<4x16x1024xf32, #tpu.memory_space<vmem>> -> memref<1x16x1024xf32, #tpu.memory_space<vmem>>
      %dma_wait3A_481 = tpu.memref_squeeze %dma_wait3A_480 : memref<1x16x1024xf32, #tpu.memory_space<vmem>> -> memref<16x1024xf32, #tpu.memory_space<vmem>>
      %dma_wait3A_482 = arith.constant 0 : i32
      %dma_wait3A_483 = arith.constant 0 : i32
      %dma_wait3A_484 = tpu.memref_slice %arg4[%dma_wait3A_482, %dma_wait3A_483] : memref<8192x1024xf32, #tpu.memory_space<hbm>> -> memref<16x1024xf32, #tpu.memory_space<hbm>>
      %dma_wait3A_485 = arith.constant 0 : i32
      %dma_wait3A_486 = arith.constant 0 : i32
      %dma_wait3A_487 = tpu.memref_slice %arg7[%dma_wait3A_477, %dma_wait3A_485, %dma_wait3A_486] : memref<4x16x1024xf32, #tpu.memory_space<vmem>> -> memref<1x16x1024xf32, #tpu.memory_space<vmem>>
      %dma_wait3A_488 = tpu.memref_squeeze %dma_wait3A_487 : memref<1x16x1024xf32, #tpu.memory_space<vmem>> -> memref<16x1024xf32, #tpu.memory_space<vmem>>
      %dma_wait3A_489 = arith.constant 0 : i32
      %dma_wait3A_490 = arith.constant 0 : i32
      %dma_wait3A_491 = tpu.memref_slice %arg4[%dma_wait3A_489, %dma_wait3A_490] : memref<8192x1024xf32, #tpu.memory_space<hbm>> -> memref<16x1024xf32, #tpu.memory_space<hbm>>
      tpu.wait_dma2 semaphore(%arg10 : memref<!tpu.dma_semaphore, #tpu.memory_space<semaphore_mem>>) src(%dma_wait3A_491 : memref<16x1024xf32, #tpu.memory_space<hbm>>) dst(%dma_wait3A_488 : memref<16x1024xf32, #tpu.memory_space<vmem>>)
      %mul3A_492 = arith.constant 2 : i32
      %mul3A_493 = arith.muli %mul3A_492, %scan3A_99 : i32
      %add3A_494 = arith.constant 1 : i32
      %add3A_495 = arith.addi %mul3A_493, %add3A_494 : i32
      %mul3A_496 = arith.constant 16 : i32
      %mul3A_497 = arith.muli %add3A_495, %mul3A_496 : i32
      %dma_start3A_498 = arith.constant 3 : i32
      %dma_start3A_499 = arith.constant 3 : i32
      %dma_start3A_500 = arith.constant 0 : i32
      %dma_start3A_501 = arith.constant 0 : i32
      %dma_start3A_502 = tpu.memref_slice %arg7[%dma_start3A_499, %dma_start3A_500, %dma_start3A_501] : memref<4x16x1024xf32, #tpu.memory_space<vmem>> -> memref<1x16x1024xf32, #tpu.memory_space<vmem>>
      %dma_start3A_503 = tpu.memref_squeeze %dma_start3A_502 : memref<1x16x1024xf32, #tpu.memory_space<vmem>> -> memref<16x1024xf32, #tpu.memory_space<vmem>>
      %dma_start3A_504 = tpu.memref_slice %arg6[%dma_start3A_498, %mul3A_497] : memref<4x256xi32, #tpu.memory_space<vmem>> -> memref<1x16xi32, #tpu.memory_space<vmem>>
      %dma_start3A_505 = tpu.memref_squeeze %dma_start3A_504 : memref<1x16xi32, #tpu.memory_space<vmem>> -> memref<16xi32, #tpu.memory_space<vmem>>
      %dma_start3A_506 = arith.constant 0 : i32
      %dma_start3A_507 = arith.constant 0 : i32
      %dma_start3A_508 = tpu.memref_slice %arg3[%dma_start3A_506, %dma_start3A_507] : memref<100000x1024xf32, #tpu.memory_space<hbm>> -> memref<100000x1024xf32, #tpu.memory_space<hbm>>
      tpu.enqueue_indirect_dma source(%dma_start3A_508 : memref<100000x1024xf32, #tpu.memory_space<hbm>>) target(%dma_start3A_503 : memref<16x1024xf32, #tpu.memory_space<vmem>>) offsets(%dma_start3A_505 : memref<16xi32, #tpu.memory_space<vmem>>) semaphore(%arg9 : memref<!tpu.dma_semaphore, #tpu.memory_space<semaphore_mem>>)
      %dma_wait3A_509 = arith.constant 1 : i32
      %dma_wait3A_510 = arith.constant 0 : i32
      %dma_wait3A_511 = arith.constant 0 : i32
      %dma_wait3A_512 = tpu.memref_slice %arg7[%dma_wait3A_509, %dma_wait3A_510, %dma_wait3A_511] : memref<4x16x1024xf32, #tpu.memory_space<vmem>> -> memref<1x16x1024xf32, #tpu.memory_space<vmem>>
      %dma_wait3A_513 = tpu.memref_squeeze %dma_wait3A_512 : memref<1x16x1024xf32, #tpu.memory_space<vmem>> -> memref<16x1024xf32, #tpu.memory_space<vmem>>
      %dma_wait3A_514 = arith.constant 0 : i32
      %dma_wait3A_515 = arith.constant 0 : i32
      %dma_wait3A_516 = tpu.memref_slice %arg4[%dma_wait3A_514, %dma_wait3A_515] : memref<8192x1024xf32, #tpu.memory_space<hbm>> -> memref<16x1024xf32, #tpu.memory_space<hbm>>
      %dma_wait3A_517 = arith.constant 0 : i32
      %dma_wait3A_518 = arith.constant 0 : i32
      %dma_wait3A_519 = tpu.memref_slice %arg7[%dma_wait3A_509, %dma_wait3A_517, %dma_wait3A_518] : memref<4x16x1024xf32, #tpu.memory_space<vmem>> -> memref<1x16x1024xf32, #tpu.memory_space<vmem>>
      %dma_wait3A_520 = tpu.memref_squeeze %dma_wait3A_519 : memref<1x16x1024xf32, #tpu.memory_space<vmem>> -> memref<16x1024xf32, #tpu.memory_space<vmem>>
      %dma_wait3A_521 = arith.constant 0 : i32
      %dma_wait3A_522 = arith.constant 0 : i32
      %dma_wait3A_523 = tpu.memref_slice %arg4[%dma_wait3A_521, %dma_wait3A_522] : memref<8192x1024xf32, #tpu.memory_space<hbm>> -> memref<16x1024xf32, #tpu.memory_space<hbm>>
      tpu.wait_dma2 semaphore(%arg9 : memref<!tpu.dma_semaphore, #tpu.memory_space<semaphore_mem>>) src(%dma_wait3A_523 : memref<16x1024xf32, #tpu.memory_space<hbm>>) dst(%dma_wait3A_520 : memref<16x1024xf32, #tpu.memory_space<vmem>>)
      %parallel_loop3A_524 = arith.constant 0 : i32
      %parallel_loop3A_525 = arith.constant 1024 : i32
      %parallel_loop3A_526 = arith.constant 1 : i32
      scf.for %parallel_loop3A_681 = %parallel_loop3A_524 to %parallel_loop3A_525 step %parallel_loop3A_526  : i32 {
        %parallel_loop3A_682 = arith.constant 64 : i32
        %parallel_loop3A_683 = arith.divsi %parallel_loop3A_681, %parallel_loop3A_682 : i32
        %parallel_loop3A_684 = arith.constant 0 : i32
        %parallel_loop3A_685 = arith.cmpi sgt, %parallel_loop3A_681, %parallel_loop3A_684 : i32
        %parallel_loop3A_686 = arith.extui %parallel_loop3A_685 : i1 to i32
        %parallel_loop3A_687 = arith.constant 0 : i32
        %parallel_loop3A_688 = arith.cmpi slt, %parallel_loop3A_681, %parallel_loop3A_687 : i32
        %parallel_loop3A_689 = arith.extui %parallel_loop3A_688 : i1 to i32
        %parallel_loop3A_690 = arith.subi %parallel_loop3A_686, %parallel_loop3A_689 : i32
        %parallel_loop3A_691 = arith.constant 0 : i32
        %parallel_loop3A_692 = arith.cmpi sgt, %parallel_loop3A_682, %parallel_loop3A_691 : i32
        %parallel_loop3A_693 = arith.extui %parallel_loop3A_692 : i1 to i32
        %parallel_loop3A_694 = arith.constant 0 : i32
        %parallel_loop3A_695 = arith.cmpi slt, %parallel_loop3A_682, %parallel_loop3A_694 : i32
        %parallel_loop3A_696 = arith.extui %parallel_loop3A_695 : i1 to i32
        %parallel_loop3A_697 = arith.subi %parallel_loop3A_693, %parallel_loop3A_696 : i32
        %parallel_loop3A_698 = arith.cmpi ne, %parallel_loop3A_690, %parallel_loop3A_697 : i32
        %parallel_loop3A_699 = arith.remsi %parallel_loop3A_681, %parallel_loop3A_682 : i32
        %parallel_loop3A_700 = arith.constant 0 : i32
        %parallel_loop3A_701 = arith.cmpi ne, %parallel_loop3A_699, %parallel_loop3A_700 : i32
        %parallel_loop3A_702 = arith.andi %parallel_loop3A_698, %parallel_loop3A_701 : i1
        %parallel_loop3A_703 = arith.constant 1 : i32
        %parallel_loop3A_704 = arith.subi %parallel_loop3A_683, %parallel_loop3A_703 : i32
        %parallel_loop3A_705 = arith.select %parallel_loop3A_702, %parallel_loop3A_704, %parallel_loop3A_683 : i32
        %parallel_loop3A_706 = arith.constant 64 : i32
        %parallel_loop3A_707 = arith.constant 0 : i32
        %parallel_loop3A_708 = arith.cmpi eq, %parallel_loop3A_706, %parallel_loop3A_707 : i32
        %parallel_loop3A_709 = arith.constant 1 : i32
        %parallel_loop3A_710 = arith.select %parallel_loop3A_708, %parallel_loop3A_709, %parallel_loop3A_706 : i32
        %parallel_loop3A_711 = arith.remsi %parallel_loop3A_681, %parallel_loop3A_710 : i32
        %parallel_loop3A_712 = arith.constant 0 : i32
        %parallel_loop3A_713 = arith.cmpi ne, %parallel_loop3A_711, %parallel_loop3A_712 : i32
        %parallel_loop3A_714 = arith.constant 0 : i32
        %parallel_loop3A_715 = arith.cmpi slt, %parallel_loop3A_711, %parallel_loop3A_714 : i32
        %parallel_loop3A_716 = arith.constant 0 : i32
        %parallel_loop3A_717 = arith.cmpi slt, %parallel_loop3A_710, %parallel_loop3A_716 : i32
        %parallel_loop3A_718 = arith.xori %parallel_loop3A_715, %parallel_loop3A_717 : i1
        %parallel_loop3A_719 = arith.andi %parallel_loop3A_718, %parallel_loop3A_713 : i1
        %parallel_loop3A_720 = arith.addi %parallel_loop3A_711, %parallel_loop3A_710 : i32
        %parallel_loop3A_721 = arith.select %parallel_loop3A_719, %parallel_loop3A_720, %parallel_loop3A_711 : i32
        %parallel_loop3A_722 = arith.constant 16 : i32
        %parallel_loop3A_723 = arith.muli %parallel_loop3A_721, %parallel_loop3A_722 : i32
        %parallel_loop3A_724 = arith.constant 1 : i32
        %parallel_loop3A_725 = arith.index_cast %parallel_loop3A_724 : i32 to index
        %parallel_loop3A_726 = arith.index_cast %parallel_loop3A_705 : i32 to index
        %parallel_loop3A_727 = arith.index_cast %parallel_loop3A_723 : i32 to index
        %parallel_loop3A_728 = tpu.vector_load %arg8[%parallel_loop3A_725, %parallel_loop3A_726, %parallel_loop3A_727] {strides = array<i32>} : memref<2x16x1024xf32, #tpu.memory_space<vmem>>, vector<1x1x16xf32>,
        %parallel_loop3A_729 = vector.shape_cast %parallel_loop3A_728 : vector<1x1x16xf32> to vector<16xf32>
        %parallel_loop3A_730 = arith.constant 1 : i32
        %parallel_loop3A_731 = arith.index_cast %parallel_loop3A_730 : i32 to index
        %parallel_loop3A_732 = arith.index_cast %parallel_loop3A_705 : i32 to index
        %parallel_loop3A_733 = arith.index_cast %parallel_loop3A_723 : i32 to index
        %parallel_loop3A_734 = tpu.vector_load %arg7[%parallel_loop3A_731, %parallel_loop3A_732, %parallel_loop3A_733] {strides = array<i32>} : memref<4x16x1024xf32, #tpu.memory_space<vmem>>, vector<1x1x16xf32>,
        %parallel_loop3A_735 = vector.shape_cast %parallel_loop3A_734 : vector<1x1x16xf32> to vector<16xf32>
        %parallel_loop3A_736 = vector.shape_cast %parallel_loop3A_729 : vector<16xf32> to vector<1x1x16xf32>
        tpu.vector_store %arg7[%parallel_loop3A_731, %parallel_loop3A_732, %parallel_loop3A_733], %parallel_loop3A_736 {add = true, strides = array<i32>} : memref<4x16x1024xf32, #tpu.memory_space<vmem>>, vector<1x1x16xf32>,
      } {sc.loop_unroll_factor = 8 : i64, sc.parallel_access}
      %add3A_527 = arith.constant 8192 : i32
      %add3A_528 = arith.addi %add3A_527, %mul3A_2 : i32
      %mul3A_529 = arith.constant 16 : i32
      %mul3A_530 = arith.muli %add3A_476, %mul3A_529 : i32
      %add3A_531 = arith.addi %add3A_528, %mul3A_530 : i32
      %dma_start3A_532 = arith.constant 1 : i32
      %dma_start3A_533 = arith.constant 0 : i32
      %dma_start3A_534 = arith.constant 0 : i32
      %dma_start3A_535 = tpu.memref_slice %arg7[%dma_start3A_532, %dma_start3A_533, %dma_start3A_534] : memref<4x16x1024xf32, #tpu.memory_space<vmem>> -> memref<1x16x1024xf32, #tpu.memory_space<vmem>>
      %dma_start3A_536 = tpu.memref_squeeze %dma_start3A_535 : memref<1x16x1024xf32, #tpu.memory_space<vmem>> -> memref<16x1024xf32, #tpu.memory_space<vmem>>
      %dma_start3A_537 = arith.constant 0 : i32
      %dma_start3A_538 = tpu.memref_slice %arg5[%add3A_531, %dma_start3A_537] : memref<32768x1024xf32, #tpu.memory_space<hbm>> -> memref<16x1024xf32, #tpu.memory_space<hbm>>
      %dma_start3A_539 = arith.constant 0 : i32
      %dma_start3A_540 = tpu.memref_slice %arg5[%add3A_531, %dma_start3A_539] : memref<32768x1024xf32, #tpu.memory_space<hbm>> -> memref<16x1024xf32, #tpu.memory_space<hbm>>
      %dma_start3A_541 = arith.constant 0 : i32
      %dma_start3A_542 = arith.constant 0 : i32
      %dma_start3A_543 = tpu.memref_slice %arg7[%dma_start3A_532, %dma_start3A_541, %dma_start3A_542] : memref<4x16x1024xf32, #tpu.memory_space<vmem>> -> memref<1x16x1024xf32, #tpu.memory_space<vmem>>
      %dma_start3A_544 = tpu.memref_squeeze %dma_start3A_543 : memref<1x16x1024xf32, #tpu.memory_space<vmem>> -> memref<16x1024xf32, #tpu.memory_space<vmem>>
      tpu.enqueue_dma source(%dma_start3A_544 : memref<16x1024xf32, #tpu.memory_space<vmem>>) target(%dma_start3A_540 : memref<16x1024xf32, #tpu.memory_space<hbm>>) target_semaphore(%arg10 : memref<!tpu.dma_semaphore, #tpu.memory_space<semaphore_mem>>)
      %mul3A_545 = arith.constant 2 : i32
      %mul3A_546 = arith.muli %mul3A_545, %scan3A_99 : i32
      %add3A_547 = arith.constant 1 : i32
      %add3A_548 = arith.addi %mul3A_546, %add3A_547 : i32
      %dma_wait3A_549 = arith.constant 0 : i32
      %dma_wait3A_550 = arith.constant 0 : i32
      %dma_wait3A_551 = arith.constant 0 : i32
      %dma_wait3A_552 = tpu.memref_slice %arg7[%dma_wait3A_549, %dma_wait3A_550, %dma_wait3A_551] : memref<4x16x1024xf32, #tpu.memory_space<vmem>> -> memref<1x16x1024xf32, #tpu.memory_space<vmem>>
      %dma_wait3A_553 = tpu.memref_squeeze %dma_wait3A_552 : memref<1x16x1024xf32, #tpu.memory_space<vmem>> -> memref<16x1024xf32, #tpu.memory_space<vmem>>
      %dma_wait3A_554 = arith.constant 0 : i32
      %dma_wait3A_555 = arith.constant 0 : i32
      %dma_wait3A_556 = tpu.memref_slice %arg4[%dma_wait3A_554, %dma_wait3A_555] : memref<8192x1024xf32, #tpu.memory_space<hbm>> -> memref<16x1024xf32, #tpu.memory_space<hbm>>
      %dma_wait3A_557 = arith.constant 0 : i32
      %dma_wait3A_558 = arith.constant 0 : i32
      %dma_wait3A_559 = tpu.memref_slice %arg7[%dma_wait3A_549, %dma_wait3A_557, %dma_wait3A_558] : memref<4x16x1024xf32, #tpu.memory_space<vmem>> -> memref<1x16x1024xf32, #tpu.memory_space<vmem>>
      %dma_wait3A_560 = tpu.memref_squeeze %dma_wait3A_559 : memref<1x16x1024xf32, #tpu.memory_space<vmem>> -> memref<16x1024xf32, #tpu.memory_space<vmem>>
      %dma_wait3A_561 = arith.constant 0 : i32
      %dma_wait3A_562 = arith.constant 0 : i32
      %dma_wait3A_563 = tpu.memref_slice %arg4[%dma_wait3A_561, %dma_wait3A_562] : memref<8192x1024xf32, #tpu.memory_space<hbm>> -> memref<16x1024xf32, #tpu.memory_space<hbm>>
      tpu.wait_dma2 semaphore(%arg10 : memref<!tpu.dma_semaphore, #tpu.memory_space<semaphore_mem>>) src(%dma_wait3A_563 : memref<16x1024xf32, #tpu.memory_space<hbm>>) dst(%dma_wait3A_560 : memref<16x1024xf32, #tpu.memory_space<vmem>>)
      %mul3A_564 = arith.constant 2 : i32
      %mul3A_565 = arith.muli %mul3A_564, %scan3A_99 : i32
      %add3A_566 = arith.constant 2 : i32
      %add3A_567 = arith.addi %mul3A_565, %add3A_566 : i32
      %lt3A_568 = arith.constant 7 : i32
      %lt3A_569 = arith.cmpi slt, %scan3A_99, %lt3A_568 : i32
      %convert_element_type3A_570 = arith.extui %lt3A_569 : i1 to i32
      %cond3A_571 = arith.constant 0 : i32
      %cond3A_572 = arith.cmpi ne, %convert_element_type3A_570, %cond3A_571 : i32
      scf.if %cond3A_572 {
        %mul3A_681 = arith.constant 16 : i32
        %mul3A_682 = arith.muli %add3A_567, %mul3A_681 : i32
        %dma_start3A_683 = arith.constant 0 : i32
        %dma_start3A_684 = arith.constant 0 : i32
        %dma_start3A_685 = arith.constant 0 : i32
        %dma_start3A_686 = arith.constant 0 : i32
        %dma_start3A_687 = tpu.memref_slice %arg7[%dma_start3A_684, %dma_start3A_685, %dma_start3A_686] : memref<4x16x1024xf32, #tpu.memory_space<vmem>> -> memref<1x16x1024xf32, #tpu.memory_space<vmem>>
        %dma_start3A_688 = tpu.memref_squeeze %dma_start3A_687 : memref<1x16x1024xf32, #tpu.memory_space<vmem>> -> memref<16x1024xf32, #tpu.memory_space<vmem>>
        %dma_start3A_689 = tpu.memref_slice %arg6[%dma_start3A_683, %mul3A_682] : memref<4x256xi32, #tpu.memory_space<vmem>> -> memref<1x16xi32, #tpu.memory_space<vmem>>
        %dma_start3A_690 = tpu.memref_squeeze %dma_start3A_689 : memref<1x16xi32, #tpu.memory_space<vmem>> -> memref<16xi32, #tpu.memory_space<vmem>>
        %dma_start3A_691 = arith.constant 0 : i32
        %dma_start3A_692 = arith.constant 0 : i32
        %dma_start3A_693 = tpu.memref_slice %arg3[%dma_start3A_691, %dma_start3A_692] : memref<100000x1024xf32, #tpu.memory_space<hbm>> -> memref<100000x1024xf32, #tpu.memory_space<hbm>>
        tpu.enqueue_indirect_dma source(%dma_start3A_693 : memref<100000x1024xf32, #tpu.memory_space<hbm>>) target(%dma_start3A_688 : memref<16x1024xf32, #tpu.memory_space<vmem>>) offsets(%dma_start3A_690 : memref<16xi32, #tpu.memory_space<vmem>>) semaphore(%arg9 : memref<!tpu.dma_semaphore, #tpu.memory_space<semaphore_mem>>)
      } else {
      }
      %dma_wait3A_573 = arith.constant 2 : i32
      %dma_wait3A_574 = arith.constant 0 : i32
      %dma_wait3A_575 = arith.constant 0 : i32
      %dma_wait3A_576 = tpu.memref_slice %arg7[%dma_wait3A_573, %dma_wait3A_574, %dma_wait3A_575] : memref<4x16x1024xf32, #tpu.memory_space<vmem>> -> memref<1x16x1024xf32, #tpu.memory_space<vmem>>
      %dma_wait3A_577 = tpu.memref_squeeze %dma_wait3A_576 : memref<1x16x1024xf32, #tpu.memory_space<vmem>> -> memref<16x1024xf32, #tpu.memory_space<vmem>>
      %dma_wait3A_578 = arith.constant 0 : i32
      %dma_wait3A_579 = arith.constant 0 : i32
      %dma_wait3A_580 = tpu.memref_slice %arg4[%dma_wait3A_578, %dma_wait3A_579] : memref<8192x1024xf32, #tpu.memory_space<hbm>> -> memref<16x1024xf32, #tpu.memory_space<hbm>>
      %dma_wait3A_581 = arith.constant 0 : i32
      %dma_wait3A_582 = arith.constant 0 : i32
      %dma_wait3A_583 = tpu.memref_slice %arg7[%dma_wait3A_573, %dma_wait3A_581, %dma_wait3A_582] : memref<4x16x1024xf32, #tpu.memory_space<vmem>> -> memref<1x16x1024xf32, #tpu.memory_space<vmem>>
      %dma_wait3A_584 = tpu.memref_squeeze %dma_wait3A_583 : memref<1x16x1024xf32, #tpu.memory_space<vmem>> -> memref<16x1024xf32, #tpu.memory_space<vmem>>
      %dma_wait3A_585 = arith.constant 0 : i32
      %dma_wait3A_586 = arith.constant 0 : i32
      %dma_wait3A_587 = tpu.memref_slice %arg4[%dma_wait3A_585, %dma_wait3A_586] : memref<8192x1024xf32, #tpu.memory_space<hbm>> -> memref<16x1024xf32, #tpu.memory_space<hbm>>
      tpu.wait_dma2 semaphore(%arg9 : memref<!tpu.dma_semaphore, #tpu.memory_space<semaphore_mem>>) src(%dma_wait3A_587 : memref<16x1024xf32, #tpu.memory_space<hbm>>) dst(%dma_wait3A_584 : memref<16x1024xf32, #tpu.memory_space<vmem>>)
      %parallel_loop3A_588 = arith.constant 0 : i32
      %parallel_loop3A_589 = arith.constant 1024 : i32
      %parallel_loop3A_590 = arith.constant 1 : i32
      scf.for %parallel_loop3A_681 = %parallel_loop3A_588 to %parallel_loop3A_589 step %parallel_loop3A_590  : i32 {
        %parallel_loop3A_682 = arith.constant 64 : i32
        %parallel_loop3A_683 = arith.divsi %parallel_loop3A_681, %parallel_loop3A_682 : i32
        %parallel_loop3A_684 = arith.constant 0 : i32
        %parallel_loop3A_685 = arith.cmpi sgt, %parallel_loop3A_681, %parallel_loop3A_684 : i32
        %parallel_loop3A_686 = arith.extui %parallel_loop3A_685 : i1 to i32
        %parallel_loop3A_687 = arith.constant 0 : i32
        %parallel_loop3A_688 = arith.cmpi slt, %parallel_loop3A_681, %parallel_loop3A_687 : i32
        %parallel_loop3A_689 = arith.extui %parallel_loop3A_688 : i1 to i32
        %parallel_loop3A_690 = arith.subi %parallel_loop3A_686, %parallel_loop3A_689 : i32
        %parallel_loop3A_691 = arith.constant 0 : i32
        %parallel_loop3A_692 = arith.cmpi sgt, %parallel_loop3A_682, %parallel_loop3A_691 : i32
        %parallel_loop3A_693 = arith.extui %parallel_loop3A_692 : i1 to i32
        %parallel_loop3A_694 = arith.constant 0 : i32
        %parallel_loop3A_695 = arith.cmpi slt, %parallel_loop3A_682, %parallel_loop3A_694 : i32
        %parallel_loop3A_696 = arith.extui %parallel_loop3A_695 : i1 to i32
        %parallel_loop3A_697 = arith.subi %parallel_loop3A_693, %parallel_loop3A_696 : i32
        %parallel_loop3A_698 = arith.cmpi ne, %parallel_loop3A_690, %parallel_loop3A_697 : i32
        %parallel_loop3A_699 = arith.remsi %parallel_loop3A_681, %parallel_loop3A_682 : i32
        %parallel_loop3A_700 = arith.constant 0 : i32
        %parallel_loop3A_701 = arith.cmpi ne, %parallel_loop3A_699, %parallel_loop3A_700 : i32
        %parallel_loop3A_702 = arith.andi %parallel_loop3A_698, %parallel_loop3A_701 : i1
        %parallel_loop3A_703 = arith.constant 1 : i32
        %parallel_loop3A_704 = arith.subi %parallel_loop3A_683, %parallel_loop3A_703 : i32
        %parallel_loop3A_705 = arith.select %parallel_loop3A_702, %parallel_loop3A_704, %parallel_loop3A_683 : i32
        %parallel_loop3A_706 = arith.constant 64 : i32
        %parallel_loop3A_707 = arith.constant 0 : i32
        %parallel_loop3A_708 = arith.cmpi eq, %parallel_loop3A_706, %parallel_loop3A_707 : i32
        %parallel_loop3A_709 = arith.constant 1 : i32
        %parallel_loop3A_710 = arith.select %parallel_loop3A_708, %parallel_loop3A_709, %parallel_loop3A_706 : i32
        %parallel_loop3A_711 = arith.remsi %parallel_loop3A_681, %parallel_loop3A_710 : i32
        %parallel_loop3A_712 = arith.constant 0 : i32
        %parallel_loop3A_713 = arith.cmpi ne, %parallel_loop3A_711, %parallel_loop3A_712 : i32
        %parallel_loop3A_714 = arith.constant 0 : i32
        %parallel_loop3A_715 = arith.cmpi slt, %parallel_loop3A_711, %parallel_loop3A_714 : i32
        %parallel_loop3A_716 = arith.constant 0 : i32
        %parallel_loop3A_717 = arith.cmpi slt, %parallel_loop3A_710, %parallel_loop3A_716 : i32
        %parallel_loop3A_718 = arith.xori %parallel_loop3A_715, %parallel_loop3A_717 : i1
        %parallel_loop3A_719 = arith.andi %parallel_loop3A_718, %parallel_loop3A_713 : i1
        %parallel_loop3A_720 = arith.addi %parallel_loop3A_711, %parallel_loop3A_710 : i32
        %parallel_loop3A_721 = arith.select %parallel_loop3A_719, %parallel_loop3A_720, %parallel_loop3A_711 : i32
        %parallel_loop3A_722 = arith.constant 16 : i32
        %parallel_loop3A_723 = arith.muli %parallel_loop3A_721, %parallel_loop3A_722 : i32
        %parallel_loop3A_724 = arith.constant 1 : i32
        %parallel_loop3A_725 = arith.index_cast %parallel_loop3A_724 : i32 to index
        %parallel_loop3A_726 = arith.index_cast %parallel_loop3A_705 : i32 to index
        %parallel_loop3A_727 = arith.index_cast %parallel_loop3A_723 : i32 to index
        %parallel_loop3A_728 = tpu.vector_load %arg8[%parallel_loop3A_725, %parallel_loop3A_726, %parallel_loop3A_727] {strides = array<i32>} : memref<2x16x1024xf32, #tpu.memory_space<vmem>>, vector<1x1x16xf32>,
        %parallel_loop3A_729 = vector.shape_cast %parallel_loop3A_728 : vector<1x1x16xf32> to vector<16xf32>
        %parallel_loop3A_730 = arith.constant 2 : i32
        %parallel_loop3A_731 = arith.index_cast %parallel_loop3A_730 : i32 to index
        %parallel_loop3A_732 = arith.index_cast %parallel_loop3A_705 : i32 to index
        %parallel_loop3A_733 = arith.index_cast %parallel_loop3A_723 : i32 to index
        %parallel_loop3A_734 = tpu.vector_load %arg7[%parallel_loop3A_731, %parallel_loop3A_732, %parallel_loop3A_733] {strides = array<i32>} : memref<4x16x1024xf32, #tpu.memory_space<vmem>>, vector<1x1x16xf32>,
        %parallel_loop3A_735 = vector.shape_cast %parallel_loop3A_734 : vector<1x1x16xf32> to vector<16xf32>
        %parallel_loop3A_736 = vector.shape_cast %parallel_loop3A_729 : vector<16xf32> to vector<1x1x16xf32>
        tpu.vector_store %arg7[%parallel_loop3A_731, %parallel_loop3A_732, %parallel_loop3A_733], %parallel_loop3A_736 {add = true, strides = array<i32>} : memref<4x16x1024xf32, #tpu.memory_space<vmem>>, vector<1x1x16xf32>,
      } {sc.loop_unroll_factor = 8 : i64, sc.parallel_access}
      %add3A_591 = arith.constant 16384 : i32
      %add3A_592 = arith.addi %add3A_591, %mul3A_2 : i32
      %mul3A_593 = arith.constant 16 : i32
      %mul3A_594 = arith.muli %add3A_548, %mul3A_593 : i32
      %add3A_595 = arith.addi %add3A_592, %mul3A_594 : i32
      %dma_start3A_596 = arith.constant 2 : i32
      %dma_start3A_597 = arith.constant 0 : i32
      %dma_start3A_598 = arith.constant 0 : i32
      %dma_start3A_599 = tpu.memref_slice %arg7[%dma_start3A_596, %dma_start3A_597, %dma_start3A_598] : memref<4x16x1024xf32, #tpu.memory_space<vmem>> -> memref<1x16x1024xf32, #tpu.memory_space<vmem>>
      %dma_start3A_600 = tpu.memref_squeeze %dma_start3A_599 : memref<1x16x1024xf32, #tpu.memory_space<vmem>> -> memref<16x1024xf32, #tpu.memory_space<vmem>>
      %dma_start3A_601 = arith.constant 0 : i32
      %dma_start3A_602 = tpu.memref_slice %arg5[%add3A_595, %dma_start3A_601] : memref<32768x1024xf32, #tpu.memory_space<hbm>> -> memref<16x1024xf32, #tpu.memory_space<hbm>>
      %dma_start3A_603 = arith.constant 0 : i32
      %dma_start3A_604 = tpu.memref_slice %arg5[%add3A_595, %dma_start3A_603] : memref<32768x1024xf32, #tpu.memory_space<hbm>> -> memref<16x1024xf32, #tpu.memory_space<hbm>>
      %dma_start3A_605 = arith.constant 0 : i32
      %dma_start3A_606 = arith.constant 0 : i32
      %dma_start3A_607 = tpu.memref_slice %arg7[%dma_start3A_596, %dma_start3A_605, %dma_start3A_606] : memref<4x16x1024xf32, #tpu.memory_space<vmem>> -> memref<1x16x1024xf32, #tpu.memory_space<vmem>>
      %dma_start3A_608 = tpu.memref_squeeze %dma_start3A_607 : memref<1x16x1024xf32, #tpu.memory_space<vmem>> -> memref<16x1024xf32, #tpu.memory_space<vmem>>
      tpu.enqueue_dma source(%dma_start3A_608 : memref<16x1024xf32, #tpu.memory_space<vmem>>) target(%dma_start3A_604 : memref<16x1024xf32, #tpu.memory_space<hbm>>) target_semaphore(%arg10 : memref<!tpu.dma_semaphore, #tpu.memory_space<semaphore_mem>>)
      %mul3A_609 = arith.constant 2 : i32
      %mul3A_610 = arith.muli %mul3A_609, %scan3A_99 : i32
      %add3A_611 = arith.constant 1 : i32
      %add3A_612 = arith.addi %mul3A_610, %add3A_611 : i32
      %dma_wait3A_613 = arith.constant 1 : i32
      %dma_wait3A_614 = arith.constant 0 : i32
      %dma_wait3A_615 = arith.constant 0 : i32
      %dma_wait3A_616 = tpu.memref_slice %arg7[%dma_wait3A_613, %dma_wait3A_614, %dma_wait3A_615] : memref<4x16x1024xf32, #tpu.memory_space<vmem>> -> memref<1x16x1024xf32, #tpu.memory_space<vmem>>
      %dma_wait3A_617 = tpu.memref_squeeze %dma_wait3A_616 : memref<1x16x1024xf32, #tpu.memory_space<vmem>> -> memref<16x1024xf32, #tpu.memory_space<vmem>>
      %dma_wait3A_618 = arith.constant 0 : i32
      %dma_wait3A_619 = arith.constant 0 : i32
      %dma_wait3A_620 = tpu.memref_slice %arg4[%dma_wait3A_618, %dma_wait3A_619] : memref<8192x1024xf32, #tpu.memory_space<hbm>> -> memref<16x1024xf32, #tpu.memory_space<hbm>>
      %dma_wait3A_621 = arith.constant 0 : i32
      %dma_wait3A_622 = arith.constant 0 : i32
      %dma_wait3A_623 = tpu.memref_slice %arg7[%dma_wait3A_613, %dma_wait3A_621, %dma_wait3A_622] : memref<4x16x1024xf32, #tpu.memory_space<vmem>> -> memref<1x16x1024xf32, #tpu.memory_space<vmem>>
      %dma_wait3A_624 = tpu.memref_squeeze %dma_wait3A_623 : memref<1x16x1024xf32, #tpu.memory_space<vmem>> -> memref<16x1024xf32, #tpu.memory_space<vmem>>
      %dma_wait3A_625 = arith.constant 0 : i32
      %dma_wait3A_626 = arith.constant 0 : i32
      %dma_wait3A_627 = tpu.memref_slice %arg4[%dma_wait3A_625, %dma_wait3A_626] : memref<8192x1024xf32, #tpu.memory_space<hbm>> -> memref<16x1024xf32, #tpu.memory_space<hbm>>
      tpu.wait_dma2 semaphore(%arg10 : memref<!tpu.dma_semaphore, #tpu.memory_space<semaphore_mem>>) src(%dma_wait3A_627 : memref<16x1024xf32, #tpu.memory_space<hbm>>) dst(%dma_wait3A_624 : memref<16x1024xf32, #tpu.memory_space<vmem>>)
      %mul3A_628 = arith.constant 2 : i32
      %mul3A_629 = arith.muli %mul3A_628, %scan3A_99 : i32
      %add3A_630 = arith.constant 2 : i32
      %add3A_631 = arith.addi %mul3A_629, %add3A_630 : i32
      %lt3A_632 = arith.constant 7 : i32
      %lt3A_633 = arith.cmpi slt, %scan3A_99, %lt3A_632 : i32
      %convert_element_type3A_634 = arith.extui %lt3A_633 : i1 to i32
      %cond3A_635 = arith.constant 0 : i32
      %cond3A_636 = arith.cmpi ne, %convert_element_type3A_634, %cond3A_635 : i32
      scf.if %cond3A_636 {
        %mul3A_681 = arith.constant 16 : i32
        %mul3A_682 = arith.muli %add3A_631, %mul3A_681 : i32
        %dma_start3A_683 = arith.constant 1 : i32
        %dma_start3A_684 = arith.constant 1 : i32
        %dma_start3A_685 = arith.constant 0 : i32
        %dma_start3A_686 = arith.constant 0 : i32
        %dma_start3A_687 = tpu.memref_slice %arg7[%dma_start3A_684, %dma_start3A_685, %dma_start3A_686] : memref<4x16x1024xf32, #tpu.memory_space<vmem>> -> memref<1x16x1024xf32, #tpu.memory_space<vmem>>
        %dma_start3A_688 = tpu.memref_squeeze %dma_start3A_687 : memref<1x16x1024xf32, #tpu.memory_space<vmem>> -> memref<16x1024xf32, #tpu.memory_space<vmem>>
        %dma_start3A_689 = tpu.memref_slice %arg6[%dma_start3A_683, %mul3A_682] : memref<4x256xi32, #tpu.memory_space<vmem>> -> memref<1x16xi32, #tpu.memory_space<vmem>>
        %dma_start3A_690 = tpu.memref_squeeze %dma_start3A_689 : memref<1x16xi32, #tpu.memory_space<vmem>> -> memref<16xi32, #tpu.memory_space<vmem>>
        %dma_start3A_691 = arith.constant 0 : i32
        %dma_start3A_692 = arith.constant 0 : i32
        %dma_start3A_693 = tpu.memref_slice %arg3[%dma_start3A_691, %dma_start3A_692] : memref<100000x1024xf32, #tpu.memory_space<hbm>> -> memref<100000x1024xf32, #tpu.memory_space<hbm>>
        tpu.enqueue_indirect_dma source(%dma_start3A_693 : memref<100000x1024xf32, #tpu.memory_space<hbm>>) target(%dma_start3A_688 : memref<16x1024xf32, #tpu.memory_space<vmem>>) offsets(%dma_start3A_690 : memref<16xi32, #tpu.memory_space<vmem>>) semaphore(%arg9 : memref<!tpu.dma_semaphore, #tpu.memory_space<semaphore_mem>>)
      } else {
      }
      %dma_wait3A_637 = arith.constant 3 : i32
      %dma_wait3A_638 = arith.constant 0 : i32
      %dma_wait3A_639 = arith.constant 0 : i32
      %dma_wait3A_640 = tpu.memref_slice %arg7[%dma_wait3A_637, %dma_wait3A_638, %dma_wait3A_639] : memref<4x16x1024xf32, #tpu.memory_space<vmem>> -> memref<1x16x1024xf32, #tpu.memory_space<vmem>>
      %dma_wait3A_641 = tpu.memref_squeeze %dma_wait3A_640 : memref<1x16x1024xf32, #tpu.memory_space<vmem>> -> memref<16x1024xf32, #tpu.memory_space<vmem>>
      %dma_wait3A_642 = arith.constant 0 : i32
      %dma_wait3A_643 = arith.constant 0 : i32
      %dma_wait3A_644 = tpu.memref_slice %arg4[%dma_wait3A_642, %dma_wait3A_643] : memref<8192x1024xf32, #tpu.memory_space<hbm>> -> memref<16x1024xf32, #tpu.memory_space<hbm>>
      %dma_wait3A_645 = arith.constant 0 : i32
      %dma_wait3A_646 = arith.constant 0 : i32
      %dma_wait3A_647 = tpu.memref_slice %arg7[%dma_wait3A_637, %dma_wait3A_645, %dma_wait3A_646] : memref<4x16x1024xf32, #tpu.memory_space<vmem>> -> memref<1x16x1024xf32, #tpu.memory_space<vmem>>
      %dma_wait3A_648 = tpu.memref_squeeze %dma_wait3A_647 : memref<1x16x1024xf32, #tpu.memory_space<vmem>> -> memref<16x1024xf32, #tpu.memory_space<vmem>>
      %dma_wait3A_649 = arith.constant 0 : i32
      %dma_wait3A_650 = arith.constant 0 : i32
      %dma_wait3A_651 = tpu.memref_slice %arg4[%dma_wait3A_649, %dma_wait3A_650] : memref<8192x1024xf32, #tpu.memory_space<hbm>> -> memref<16x1024xf32, #tpu.memory_space<hbm>>
      tpu.wait_dma2 semaphore(%arg9 : memref<!tpu.dma_semaphore, #tpu.memory_space<semaphore_mem>>) src(%dma_wait3A_651 : memref<16x1024xf32, #tpu.memory_space<hbm>>) dst(%dma_wait3A_648 : memref<16x1024xf32, #tpu.memory_space<vmem>>)
      %parallel_loop3A_652 = arith.constant 0 : i32
      %parallel_loop3A_653 = arith.constant 1024 : i32
      %parallel_loop3A_654 = arith.constant 1 : i32
      scf.for %parallel_loop3A_681 = %parallel_loop3A_652 to %parallel_loop3A_653 step %parallel_loop3A_654  : i32 {
        %parallel_loop3A_682 = arith.constant 64 : i32
        %parallel_loop3A_683 = arith.divsi %parallel_loop3A_681, %parallel_loop3A_682 : i32
        %parallel_loop3A_684 = arith.constant 0 : i32
        %parallel_loop3A_685 = arith.cmpi sgt, %parallel_loop3A_681, %parallel_loop3A_684 : i32
        %parallel_loop3A_686 = arith.extui %parallel_loop3A_685 : i1 to i32
        %parallel_loop3A_687 = arith.constant 0 : i32
        %parallel_loop3A_688 = arith.cmpi slt, %parallel_loop3A_681, %parallel_loop3A_687 : i32
        %parallel_loop3A_689 = arith.extui %parallel_loop3A_688 : i1 to i32
        %parallel_loop3A_690 = arith.subi %parallel_loop3A_686, %parallel_loop3A_689 : i32
        %parallel_loop3A_691 = arith.constant 0 : i32
        %parallel_loop3A_692 = arith.cmpi sgt, %parallel_loop3A_682, %parallel_loop3A_691 : i32
        %parallel_loop3A_693 = arith.extui %parallel_loop3A_692 : i1 to i32
        %parallel_loop3A_694 = arith.constant 0 : i32
        %parallel_loop3A_695 = arith.cmpi slt, %parallel_loop3A_682, %parallel_loop3A_694 : i32
        %parallel_loop3A_696 = arith.extui %parallel_loop3A_695 : i1 to i32
        %parallel_loop3A_697 = arith.subi %parallel_loop3A_693, %parallel_loop3A_696 : i32
        %parallel_loop3A_698 = arith.cmpi ne, %parallel_loop3A_690, %parallel_loop3A_697 : i32
        %parallel_loop3A_699 = arith.remsi %parallel_loop3A_681, %parallel_loop3A_682 : i32
        %parallel_loop3A_700 = arith.constant 0 : i32
        %parallel_loop3A_701 = arith.cmpi ne, %parallel_loop3A_699, %parallel_loop3A_700 : i32
        %parallel_loop3A_702 = arith.andi %parallel_loop3A_698, %parallel_loop3A_701 : i1
        %parallel_loop3A_703 = arith.constant 1 : i32
        %parallel_loop3A_704 = arith.subi %parallel_loop3A_683, %parallel_loop3A_703 : i32
        %parallel_loop3A_705 = arith.select %parallel_loop3A_702, %parallel_loop3A_704, %parallel_loop3A_683 : i32
        %parallel_loop3A_706 = arith.constant 64 : i32
        %parallel_loop3A_707 = arith.constant 0 : i32
        %parallel_loop3A_708 = arith.cmpi eq, %parallel_loop3A_706, %parallel_loop3A_707 : i32
        %parallel_loop3A_709 = arith.constant 1 : i32
        %parallel_loop3A_710 = arith.select %parallel_loop3A_708, %parallel_loop3A_709, %parallel_loop3A_706 : i32
        %parallel_loop3A_711 = arith.remsi %parallel_loop3A_681, %parallel_loop3A_710 : i32
        %parallel_loop3A_712 = arith.constant 0 : i32
        %parallel_loop3A_713 = arith.cmpi ne, %parallel_loop3A_711, %parallel_loop3A_712 : i32
        %parallel_loop3A_714 = arith.constant 0 : i32
        %parallel_loop3A_715 = arith.cmpi slt, %parallel_loop3A_711, %parallel_loop3A_714 : i32
        %parallel_loop3A_716 = arith.constant 0 : i32
        %parallel_loop3A_717 = arith.cmpi slt, %parallel_loop3A_710, %parallel_loop3A_716 : i32
        %parallel_loop3A_718 = arith.xori %parallel_loop3A_715, %parallel_loop3A_717 : i1
        %parallel_loop3A_719 = arith.andi %parallel_loop3A_718, %parallel_loop3A_713 : i1
        %parallel_loop3A_720 = arith.addi %parallel_loop3A_711, %parallel_loop3A_710 : i32
        %parallel_loop3A_721 = arith.select %parallel_loop3A_719, %parallel_loop3A_720, %parallel_loop3A_711 : i32
        %parallel_loop3A_722 = arith.constant 16 : i32
        %parallel_loop3A_723 = arith.muli %parallel_loop3A_721, %parallel_loop3A_722 : i32
        %parallel_loop3A_724 = arith.constant 1 : i32
        %parallel_loop3A_725 = arith.index_cast %parallel_loop3A_724 : i32 to index
        %parallel_loop3A_726 = arith.index_cast %parallel_loop3A_705 : i32 to index
        %parallel_loop3A_727 = arith.index_cast %parallel_loop3A_723 : i32 to index
        %parallel_loop3A_728 = tpu.vector_load %arg8[%parallel_loop3A_725, %parallel_loop3A_726, %parallel_loop3A_727] {strides = array<i32>} : memref<2x16x1024xf32, #tpu.memory_space<vmem>>, vector<1x1x16xf32>,
        %parallel_loop3A_729 = vector.shape_cast %parallel_loop3A_728 : vector<1x1x16xf32> to vector<16xf32>
        %parallel_loop3A_730 = arith.constant 3 : i32
        %parallel_loop3A_731 = arith.index_cast %parallel_loop3A_730 : i32 to index
        %parallel_loop3A_732 = arith.index_cast %parallel_loop3A_705 : i32 to index
        %parallel_loop3A_733 = arith.index_cast %parallel_loop3A_723 : i32 to index
        %parallel_loop3A_734 = tpu.vector_load %arg7[%parallel_loop3A_731, %parallel_loop3A_732, %parallel_loop3A_733] {strides = array<i32>} : memref<4x16x1024xf32, #tpu.memory_space<vmem>>, vector<1x1x16xf32>,
        %parallel_loop3A_735 = vector.shape_cast %parallel_loop3A_734 : vector<1x1x16xf32> to vector<16xf32>
        %parallel_loop3A_736 = vector.shape_cast %parallel_loop3A_729 : vector<16xf32> to vector<1x1x16xf32>
        tpu.vector_store %arg7[%parallel_loop3A_731, %parallel_loop3A_732, %parallel_loop3A_733], %parallel_loop3A_736 {add = true, strides = array<i32>} : memref<4x16x1024xf32, #tpu.memory_space<vmem>>, vector<1x1x16xf32>,
      } {sc.loop_unroll_factor = 8 : i64, sc.parallel_access}
      %add3A_655 = arith.constant 2 : i32
      %add3A_656 = arith.addi %add3A_612, %add3A_655 : i32
      %lt3A_657 = arith.constant 16 : i32
      %lt3A_658 = arith.cmpi slt, %add3A_656, %lt3A_657 : i32
      %convert_element_type3A_659 = arith.extui %lt3A_658 : i1 to i32
      %cond3A_660 = arith.constant 0 : i32
      %cond3A_661 = arith.cmpi ne, %convert_element_type3A_659, %cond3A_660 : i32
      scf.if %cond3A_661 {
        %add3A_681 = arith.constant 2 : i32
        %add3A_682 = arith.addi %add3A_612, %add3A_681 : i32
        %mul3A_683 = arith.constant 16 : i32
        %mul3A_684 = arith.muli %add3A_682, %mul3A_683 : i32
        %add3A_685 = arith.addi %mul3A_2, %mul3A_684 : i32
        %dma_start3A_686 = arith.constant 1 : i32
        %dma_start3A_687 = arith.constant 0 : i32
        %dma_start3A_688 = arith.constant 0 : i32
        %dma_start3A_689 = tpu.memref_slice %arg8[%dma_start3A_686, %dma_start3A_687, %dma_start3A_688] : memref<2x16x1024xf32, #tpu.memory_space<vmem>> -> memref<1x16x1024xf32, #tpu.memory_space<vmem>>
        %dma_start3A_690 = tpu.memref_squeeze %dma_start3A_689 : memref<1x16x1024xf32, #tpu.memory_space<vmem>> -> memref<16x1024xf32, #tpu.memory_space<vmem>>
        %dma_start3A_691 = arith.constant 0 : i32
        %dma_start3A_692 = tpu.memref_slice %arg4[%add3A_685, %dma_start3A_691] : memref<8192x1024xf32, #tpu.memory_space<hbm>> -> memref<16x1024xf32, #tpu.memory_space<hbm>>
        %dma_start3A_693 = arith.constant 0 : i32
        %dma_start3A_694 = arith.constant 0 : i32
        %dma_start3A_695 = tpu.memref_slice %arg8[%dma_start3A_686, %dma_start3A_693, %dma_start3A_694] : memref<2x16x1024xf32, #tpu.memory_space<vmem>> -> memref<1x16x1024xf32, #tpu.memory_space<vmem>>
        %dma_start3A_696 = tpu.memref_squeeze %dma_start3A_695 : memref<1x16x1024xf32, #tpu.memory_space<vmem>> -> memref<16x1024xf32, #tpu.memory_space<vmem>>
        %dma_start3A_697 = arith.constant 0 : i32
        %dma_start3A_698 = tpu.memref_slice %arg4[%add3A_685, %dma_start3A_697] : memref<8192x1024xf32, #tpu.memory_space<hbm>> -> memref<16x1024xf32, #tpu.memory_space<hbm>>
        tpu.enqueue_dma source(%dma_start3A_698 : memref<16x1024xf32, #tpu.memory_space<hbm>>) target(%dma_start3A_696 : memref<16x1024xf32, #tpu.memory_space<vmem>>) target_semaphore(%arg11 : memref<!tpu.dma_semaphore, #tpu.memory_space<semaphore_mem>>)
      } else {
      }
      %add3A_662 = arith.constant 24576 : i32
      %add3A_663 = arith.addi %add3A_662, %mul3A_2 : i32
      %mul3A_664 = arith.constant 16 : i32
      %mul3A_665 = arith.muli %add3A_612, %mul3A_664 : i32
      %add3A_666 = arith.addi %add3A_663, %mul3A_665 : i32
      %dma_start3A_667 = arith.constant 3 : i32
      %dma_start3A_668 = arith.constant 0 : i32
      %dma_start3A_669 = arith.constant 0 : i32
      %dma_start3A_670 = tpu.memref_slice %arg7[%dma_start3A_667, %dma_start3A_668, %dma_start3A_669] : memref<4x16x1024xf32, #tpu.memory_space<vmem>> -> memref<1x16x1024xf32, #tpu.memory_space<vmem>>
      %dma_start3A_671 = tpu.memref_squeeze %dma_start3A_670 : memref<1x16x1024xf32, #tpu.memory_space<vmem>> -> memref<16x1024xf32, #tpu.memory_space<vmem>>
      %dma_start3A_672 = arith.constant 0 : i32
      %dma_start3A_673 = tpu.memref_slice %arg5[%add3A_666, %dma_start3A_672] : memref<32768x1024xf32, #tpu.memory_space<hbm>> -> memref<16x1024xf32, #tpu.memory_space<hbm>>
      %dma_start3A_674 = arith.constant 0 : i32
      %dma_start3A_675 = tpu.memref_slice %arg5[%add3A_666, %dma_start3A_674] : memref<32768x1024xf32, #tpu.memory_space<hbm>> -> memref<16x1024xf32, #tpu.memory_space<hbm>>
      %dma_start3A_676 = arith.constant 0 : i32
      %dma_start3A_677 = arith.constant 0 : i32
      %dma_start3A_678 = tpu.memref_slice %arg7[%dma_start3A_667, %dma_start3A_676, %dma_start3A_677] : memref<4x16x1024xf32, #tpu.memory_space<vmem>> -> memref<1x16x1024xf32, #tpu.memory_space<vmem>>
      %dma_start3A_679 = tpu.memref_squeeze %dma_start3A_678 : memref<1x16x1024xf32, #tpu.memory_space<vmem>> -> memref<16x1024xf32, #tpu.memory_space<vmem>>
      tpu.enqueue_dma source(%dma_start3A_679 : memref<16x1024xf32, #tpu.memory_space<vmem>>) target(%dma_start3A_675 : memref<16x1024xf32, #tpu.memory_space<hbm>>) target_semaphore(%arg10 : memref<!tpu.dma_semaphore, #tpu.memory_space<semaphore_mem>>)
      %scan3A_680 = arith.constant 0 : i32
      scf.yield %scan3A_680 : i32
    }
    %scan3A_68 = arith.constant 8 : i32
    %dma_wait3A_69 = arith.constant 2 : i32
    %dma_wait3A_70 = arith.constant 0 : i32
    %dma_wait3A_71 = arith.constant 0 : i32
    %dma_wait3A_72 = tpu.memref_slice %arg7[%dma_wait3A_69, %dma_wait3A_70, %dma_wait3A_71] : memref<4x16x1024xf32, #tpu.memory_space<vmem>> -> memref<1x16x1024xf32, #tpu.memory_space<vmem>>
    %dma_wait3A_73 = tpu.memref_squeeze %dma_wait3A_72 : memref<1x16x1024xf32, #tpu.memory_space<vmem>> -> memref<16x1024xf32, #tpu.memory_space<vmem>>
    %dma_wait3A_74 = arith.constant 0 : i32
    %dma_wait3A_75 = arith.constant 0 : i32
    %dma_wait3A_76 = tpu.memref_slice %arg4[%dma_wait3A_74, %dma_wait3A_75] : memref<8192x1024xf32, #tpu.memory_space<hbm>> -> memref<16x1024xf32, #tpu.memory_space<hbm>>
    %dma_wait3A_77 = arith.constant 0 : i32
    %dma_wait3A_78 = arith.constant 0 : i32
    %dma_wait3A_79 = tpu.memref_slice %arg7[%dma_wait3A_69, %dma_wait3A_77, %dma_wait3A_78] : memref<4x16x1024xf32, #tpu.memory_space<vmem>> -> memref<1x16x1024xf32, #tpu.memory_space<vmem>>
    %dma_wait3A_80 = tpu.memref_squeeze %dma_wait3A_79 : memref<1x16x1024xf32, #tpu.memory_space<vmem>> -> memref<16x1024xf32, #tpu.memory_space<vmem>>
    %dma_wait3A_81 = arith.constant 0 : i32
    %dma_wait3A_82 = arith.constant 0 : i32
    %dma_wait3A_83 = tpu.memref_slice %arg4[%dma_wait3A_81, %dma_wait3A_82] : memref<8192x1024xf32, #tpu.memory_space<hbm>> -> memref<16x1024xf32, #tpu.memory_space<hbm>>
    tpu.wait_dma2 semaphore(%arg10 : memref<!tpu.dma_semaphore, #tpu.memory_space<semaphore_mem>>) src(%dma_wait3A_83 : memref<16x1024xf32, #tpu.memory_space<hbm>>) dst(%dma_wait3A_80 : memref<16x1024xf32, #tpu.memory_space<vmem>>)
    %dma_wait3A_84 = arith.constant 3 : i32
    %dma_wait3A_85 = arith.constant 0 : i32
    %dma_wait3A_86 = arith.constant 0 : i32
    %dma_wait3A_87 = tpu.memref_slice %arg7[%dma_wait3A_84, %dma_wait3A_85, %dma_wait3A_86] : memref<4x16x1024xf32, #tpu.memory_space<vmem>> -> memref<1x16x1024xf32, #tpu.memory_space<vmem>>
    %dma_wait3A_88 = tpu.memref_squeeze %dma_wait3A_87 : memref<1x16x1024xf32, #tpu.memory_space<vmem>> -> memref<16x1024xf32, #tpu.memory_space<vmem>>
    %dma_wait3A_89 = arith.constant 0 : i32
    %dma_wait3A_90 = arith.constant 0 : i32
    %dma_wait3A_91 = tpu.memref_slice %arg4[%dma_wait3A_89, %dma_wait3A_90] : memref<8192x1024xf32, #tpu.memory_space<hbm>> -> memref<16x1024xf32, #tpu.memory_space<hbm>>
    %dma_wait3A_92 = arith.constant 0 : i32
    %dma_wait3A_93 = arith.constant 0 : i32
    %dma_wait3A_94 = tpu.memref_slice %arg7[%dma_wait3A_84, %dma_wait3A_92, %dma_wait3A_93] : memref<4x16x1024xf32, #tpu.memory_space<vmem>> -> memref<1x16x1024xf32, #tpu.memory_space<vmem>>
    %dma_wait3A_95 = tpu.memref_squeeze %dma_wait3A_94 : memref<1x16x1024xf32, #tpu.memory_space<vmem>> -> memref<16x1024xf32, #tpu.memory_space<vmem>>
    %dma_wait3A_96 = arith.constant 0 : i32
    %dma_wait3A_97 = arith.constant 0 : i32
    %dma_wait3A_98 = tpu.memref_slice %arg4[%dma_wait3A_96, %dma_wait3A_97] : memref<8192x1024xf32, #tpu.memory_space<hbm>> -> memref<16x1024xf32, #tpu.memory_space<hbm>>
    tpu.wait_dma2 semaphore(%arg10 : memref<!tpu.dma_semaphore, #tpu.memory_space<semaphore_mem>>) src(%dma_wait3A_98 : memref<16x1024xf32, #tpu.memory_space<hbm>>) dst(%dma_wait3A_95 : memref<16x1024xf32, #tpu.memory_space<vmem>>)
    return
  }
}

</mosaic_0001>

<sc_bundles>
// kernel: kernel.3.cloned.1.call-start
scs
__scs_entry_jumppad:
0x0: {  	(pc) =	sbr.rel $0x88, $3  }
0x1: {  	(tag) =	ssettag $0x0;
	lr =	simm.s32 $0x1  }
0x2: {  	[smem:$0x3F9E] =	sst lr;
	_ =	strace $0xD0000000  }
0x3: {  	_ = 	snop  }
0x4: {  	_ = 	snop  }
0x5: {  	_ = 	snop  }
0x6: {  	_ = 	snop  }
0x7: {  	_ = 	snop  }
__scs_overlays_trampoline_lowered:
0x8: {  	[smem:$0x3FAD] =	sst s0  }
0x9: {  	[smem:$0x3FAE] =	sst s1  }
0xa: {  	[smem:$0x3FAF] =	sst s2  }
0xb: {  	[smem:$0x3FB0] =	sst s3  }
0xc: {  	[smem:$0x3FB1] =	sst s4  }
0xd: {  	[smem:$0x3FB2] =	sst s5  }
0xe: {  	[smem:$0x3FB3] =	sst s6  }
0xf: {  	[smem:$0x3FB4] =	sst s7  }
0x10: {  	[smem:$0x3FB5] =	sst s8  }
0x11: {  	[smem:$0x3FB6] =	sst s9;
	s0 =	simm.s32 @!p0 $0x0  }
0x12: {  	s1 =	sld [smem:$0x3F9C];
	s0 =	simm.s32 @p0 $0x1  }
0x13: {  	[smem:$0x3FB7] =	sst s0;
	s0 =	simm.s32 @!p1 $0x0  }
0x14: {  	s2 =	sld [smem:$0x3F9B];
	s0 =	simm.s32 @p1 $0x1  }
0x15: {  	[smem:$0x3FB8] =	sst s0;
	s0 =	simm.s32 @!p2 $0x0  }
0x16: {  	s3 =	sld [smem:$0x3FDB];
	s0 =	simm.s32 @p2 $0x1  }
0x17: {  	s4 =	simm.s32 $0x1BF5;
	[smem:$0x3FBA] =	sst s0  }
0x18: {  	s0 =	sld [smem:$0x3F9D];
	_ =	swait.ge [sflag:s4], $0x0  }
0x19: {  	s7 =	sld [smem:$0x3F9E]  }
0x1a: {  	s8 =	sadd.s32 $0xFFFFE003, lr  }
0x1b: {  	s9 =	sadd.s32 $0xFFFFFEF7, lr;
	s5 =	simm.s32 $0xFFFFFFFF;
	p2 =	slt.u32 s8, $0xFFFFF086  }
0x1c: {  	p1 =	slt.u32 s9, $0xF7A;
	s5 =	simm.s32 @!p2 $0x0  }
0x1d: {  	s5 =	simm.s32 @p1 $0x1;
	p0 =	seq.s32 s7, s2  }
0x1e: {  	s7 =	smul.u32 @!p0 $0xF7A, s2;
	p2 =	seq.s32 @!p0 s5, $0x0  }
0x1f: {  	s9 =	smul.u32 $0xF7A, s1;
	s8 =	simm.s32 @!p0 $0x1BF5;
	p2 =	por !p2, p0  }
0x20: {  	[sflag:s8] =	ssyncset.s32 @!p0 $0xFFFFF086;
	s6 =	sadd.s32 @!p0 s3, s7;
	s7 =	simm.s32 @!p0 $0x108  }
0x21: {  	s3 =	sadd.s32 s3, s9;
	s6 =	sadd.s32 @!p0 $0x88, s6;
	s7 =	simm.s32 @p2 $0x1082  }
0x22: {  	[simem:s7], [sflag:s8] =	dma.local @!p0 [hbm:s6], $0xF7A  }
0x23: {  	s9 =	sor.u32 $0xD0000000, s2;
	s6 =	simm.s32 $0x108;
	_ =	swait.ge @!p0 [sflag:s8], $0x0  }
0x24: {  	s3 =	sadd.s32 $0x88, s3;
	s6 =	simm.s32 @!p1 $0x1082;
	[sflag:s4] =	ssyncset.s32 $0xFFFFF086  }
0x25: {  	[simem:s6], [sflag:s4] =	dma.local [hbm:s3], $0xF7A  }
0x26: {  	[smem:$0x3F9E] =	sst s1;
	(tag) =	ssettag s2;
	_ =	strace s9  }
0x27: {  	s1 =	sld [smem:$0x3FAE]  }
0x28: {  	s2 =	sld [smem:$0x3FAF]  }
0x29: {  	s4 =	sld [smem:$0x3FB1]  }
0x2a: {  	p0 =	seq.s32 s5, $0x0;
	s5 =	sld [smem:$0x3FB2]  }
0x2b: {  	s6 =	sld [smem:$0x3FB3]  }
0x2c: {  	s7 =	sld [smem:$0x3FB4]  }
0x2d: {  	s3 =	simm.s32 $0x108;
	s8 =	sld [smem:$0x3FB5]  }
0x2e: {  	s3 =	simm.s32 @!p0 $0x1082;
	s9 =	sld [smem:$0x3FB6]  }
0x2f: {  	lr =	sadd.s32 s0, s3;
	s0 =	sld [smem:$0x3FAD]  }
0x30: {  	s3 =	sld [smem:$0x3FB0]  }
0x31: {  	[smem:$0x3FB9] =	sst s10  }
0x32: {  	s10 =	sld [smem:$0x3FB7];
	_ =	sdelay $0x3  }
0x33: {  	p0 =	seq.s32 s10, $0x1;
	s10 =	sld [smem:$0x3FB9];
	_ =	sdelay $0x3  }
0x34: {  	[smem:$0x3FB9] =	sst s10  }
0x35: {  	s10 =	sld [smem:$0x3FB8];
	_ =	sdelay $0x3  }
0x36: {  	p1 =	seq.s32 s10, $0x1;
	s10 =	sld [smem:$0x3FB9];
	_ =	sdelay $0x3  }
0x37: {  	[smem:$0x3FB9] =	sst s10  }
0x38: {  	s10 =	sld [smem:$0x3FBA]  }
0x39: {  	_ = 	snop;
	(pc) =	sbr.ind lr, $3  }
0x3a: {  	_ = 	snop  }
0x3b: {  	_ = 	snop  }
0x3c: {  	p2 =	seq.s32 s10, $0x1;
	s10 =	sld [smem:$0x3FB9]  }
0x3d: {  	_ =	shalt  }
0x3e: {  	_ =	shalt  }
0x3f: {  	_ =	shalt  }
0x40: {  	_ =	shalt  }
0x41: {  	_ =	shalt  }
0x42: {  	_ =	shalt  }
0x43: {  	_ =	shalt  }
0x44: {  	_ =	shalt  }
0x45: {  	_ =	shalt  }
0x46: {  	_ =	shalt  }
0x47: {  	_ =	shalt  }
0x48: {  	_ =	shalt  }
0x49: {  	_ =	shalt  }
0x4a: {  	_ =	shalt  }
0x4b: {  	_ =	shalt  }
0x4c: {  	_ =	shalt  }
0x4d: {  	_ =	shalt  }
0x4e: {  	_ =	shalt  }
0x4f: {  	_ =	shalt  }
0x50: {  	_ =	shalt  }
0x51: {  	_ =	shalt  }
0x52: {  	_ =	shalt  }
0x53: {  	_ =	shalt  }
0x54: {  	_ =	shalt  }
0x55: {  	_ =	shalt  }
0x56: {  	_ =	shalt  }
0x57: {  	_ =	shalt  }
0x58: {  	_ =	shalt  }
0x59: {  	_ =	shalt  }
0x5a: {  	_ =	shalt  }
0x5b: {  	_ =	shalt  }
0x5c: {  	_ =	shalt  }
0x5d: {  	_ =	shalt  }
0x5e: {  	_ =	shalt  }
0x5f: {  	_ =	shalt  }
0x60: {  	_ =	shalt  }
0x61: {  	_ =	shalt  }
0x62: {  	_ =	shalt  }
0x63: {  	_ =	shalt  }
0x64: {  	_ =	shalt  }
0x65: {  	_ =	shalt  }
0x66: {  	_ =	shalt  }
0x67: {  	_ =	shalt  }
0x68: {  	_ =	shalt  }
0x69: {  	_ =	shalt  }
0x6a: {  	_ =	shalt  }
0x6b: {  	_ =	shalt  }
0x6c: {  	_ =	shalt  }
0x6d: {  	_ =	shalt  }
0x6e: {  	_ =	shalt  }
0x6f: {  	_ =	shalt  }
0x70: {  	_ =	shalt  }
0x71: {  	_ =	shalt  }
0x72: {  	_ =	shalt  }
0x73: {  	_ =	shalt  }
0x74: {  	_ =	shalt  }
0x75: {  	_ =	shalt  }
0x76: {  	_ =	shalt  }
0x77: {  	_ =	shalt  }
0x78: {  	_ =	shalt  }
0x79: {  	_ =	shalt  }
0x7a: {  	_ =	shalt  }
0x7b: {  	_ =	shalt  }
0x7c: {  	_ =	shalt  }
0x7d: {  	_ =	shalt  }
0x7e: {  	_ =	shalt  }
0x7f: {  	_ =	shalt  }
0x80: {  	_ =	shalt  }
0x81: {  	_ =	shalt  }
0x82: {  	_ =	shalt  }
0x83: {  	_ =	shalt  }
0x84: {  	_ =	shalt  }
0x85: {  	_ =	shalt  }
0x86: {  	_ =	shalt  }
0x87: {  	_ =	shalt  }
.Lfunc_end0:
.L_simem_size_0:
called_computation_lowered:
.L_overlay_start_0:
0x88: {  	s2 =	sld [smem:$0x3FD9]  }
0x89: {  	s3 =	sld [smem:$0x3FFE];
	_ =	sdelay $0x1  }
0x8a: {  	s1 =	srdreg.scid  }
0x8b: {  	s0 =	sand.u32 $0x1, s1  }
0x8c: {  	s18 =	sshll.u32 s0, $0xA;
	s2 =	sadd.s32 s3, s2  }
0x8d: {  	s2 =	sadd.s32 s2, s18  }
0x8e: {  	[smem:$0x3FC5] =	sst s2  }
0x8f: {  	_ = 	snop  }
0x90: {  	s2 =	sld [smem:$0x3FC9]  }
0x91: {  	s19 =	sld [smem:$0x3FC8]  }
0x92: {  	s4 =	sld [smem:$0x3FC7]  }
0x93: {  	s5 =	sld [smem:$0x3FD0];
	(tm) =	ssettm $0x1  }
0x94: {  	s6 =	sld [smem:$0x3FFB];
	_ =	sdelay $0x3  }
0x95: {  	_ =	strace s6  }
0x96: {  	s6 =	sld [smem:$0x3FFC];
	_ =	sdelay $0x3  }
0x97: {  	_ =	strace s6  }
0x98: {  	s6 =	sld [smem:$0x3FFD];
	_ =	sdelay $0x3  }
0x99: {  	_ =	strace s6  }
0x9a: {  	_ =	strace $0x8FFFFFFF  }
0x9b: {  	s20 =	sld [smem:$0x3FDB];
	_ =	sdelay $0x1  }
0x9c: {  	s7 =	simm.s32 $_scs_section_size  }
0x9d: {  	s8 =	simm.s32 $_size__tile_overlayer_lowered;
	s9 =	simm.s32 $_tile_overlayer_lowered  }
0x9e: {  	s23 =	simm.s32 $0x1BFF;
	s22 =	sshll.u32 s9, $0x1;
	s6 =	sadd.s32 s7, s20  }
0x9f: {  	s10 =	simm.s32 $0x0;
	s21 =	sshll.u32 s8, $0x1;
	s8 =	sadd.s32 s22, s6  }
0xa0: {  	[timem:s10], [sflag:s23] =	dma.local [hbm:s8], s21  }
0xa1: {  	_ =	swait.ge [sflag:s23], s21  }
0xa2: {  	s7 =	ssub.s32 $0x0, s21;
	[sflag:s23] =	ssyncset.done $0x0  }
0xa3: {  	[sflag:s23] =	ssyncadd.s32 s7;
	_ =	sdelay $0x1  }
0xa4: {  	s24 =	simm.s32 $0x1B8B  }
0xa5: {  	_ =	swait.ge [sflag:s24], $0x1  }
0xa6: {  	[sflag:s24] =	ssyncset.done $0x0  }
0xa7: {  	s25 =	simm.s32 $0x1B8E;
	[sflag:s24] =	ssyncadd.s32 $0xFFFFFFFF  }
0xa8: {  	s26 =	simm.s32 $execute0_lowered;
	[smem:$0x3FD2] =	sst s25  }
0xa9: {  	s7 =	sshll.u32 s26, $0x1;
	_ =	strace $0x80000046;
	[dreg:$0x1] =	wrdreg $0xFFFFFFFF  }
0xaa: {  	s28 =	simm.s32 $_size_execute0_lowered;
	s6 =	sadd.s32 s6, s7;
	[dreg:$0x0] =	wrdreg $0x0  }
0xab: {  	s7 =	sshll.u32 s28, $0x1;
	[dreg:$0x2] =	wrdreg s6  }
0xac: {  	[dreg:$0x3] =	wrdreg s7  }
0xad: {  	[dreg:$0x4] =	wrdreg $0xC0  }
0xae: {  	_ =	task [dreg:s10], $0x5FFFF  }
0xaf: {  	[dreg:$0x1] =	wrdreg $0xFFFFFFFF  }
0xb0: {  	[dreg:$0x0] =	wrdreg $0x60  }
0xb1: {  	[dreg:$0x2] =	wrdreg s2  }
0xb2: {  	[dreg:$0x3] =	wrdreg s19  }
0xb3: {  	[dreg:$0x4] =	wrdreg s4  }
0xb4: {  	[dreg:$0x5] =	wrdreg s5  }
0xb5: {  	[dreg:$0x6] =	wrdreg $0x9  }
0xb6: {  	_ =	task.clear_ibuf [dreg:s10], $0x7FFFF;
	_ =	strace $0x90000046  }
0xb7: {  	s29 =	simm.s32 $0x9;
	_ =	strace $0x80000048  }
0xb8: {  	_ =	swait.ge [sflag:s29], $0x1  }
0xb9: {  	[sflag:s29] =	ssyncadd.s32 $0xFFFFFFFF  }
0xba: {  	_ =	strace $0x90000048  }
0xbb: {  	_ =	sfence  }
0xbc: {  	s30 =	sld [smem:$0x0];
	_ =	sdelay $0x2  }
0xbd: {  	s31 =	sshll.u32 s1, $0xD;
	s1 =	sshrl.u32 s1, $0x2  }
0xbe: {  	s3 =	sand.u32 $0x4000, s31;
	s1 =	sadd.s32 s1, s30  }
0xbf: {  	s0 =	sor.u32 s3, s0;
	s1 =	sshll.u32 s1, $0x11  }
0xc0: {  	s0 =	sor.u32 s1, s0  }
0xc1: {  	s0 =	sadd.s32 $0x8F2B, s0  }
0xc2: {  	[sflag:s0] =	ssyncadd.remote.s32 $0x1  }
0xc3: {  	_ =	sfence.sel $0xFFFF  }
0xc4: {  	[dreg:$0x0] =	wrdreg $0xFFFFFFFF;
	(pc) =	sbr.abs _section_cstart, $3  }
0xc5: {  	[dreg:$0x1] =	wrdreg $0xFFFFFFFF  }
0xc6: {  	_ =	task.clear_ibuf [dreg:s10], $0x2FFFF;
	_ =	strace $0x9FFFFFFF  }
0xc7: {  	(tm) =	ssettm $0x7FFFFFFF  }
tec
execute0_lowered:
.L_overlay_start_1:
0x0: {  	(tag) =	ssettag $0x1  }
0x1: {  	s0 =	rddreg [dreg:$0x0]  }
0x2: {  	s1 =	rddreg [dreg:$0x1]  }
0x3: {  	s2 =	rddreg [dreg:$0x2]  }
0x4: {  	s3 =	rddreg [dreg:$0x3]  }
0x5: {  	s4 =	srdreg.scid;
	s6 =	stileid.u32  }
0x6: {  	s19 =	simm.s32 $0x1;
	s20 =	simm.s32 $0x400;
	s29 =	simm.s32 $0x4400  }
0x7: {  	s31 =	simm.s32 $0x8C00;
	s28 =	simm.s32 $0x3;
	s30 =	simm.s32 $0xC400  }
0x8: {  	s15 =	simm.s32 $0xFC00;
	s16 =	simm.s32 $0x2;
	s5 =	sand.u32 $0x1, s4  }
0x9: {  	s4 =	simm.s32 $0x0;
	s6 =	sshll.u32 s6, $0x9;
	s9 =	sadd.s32 $0x100, s1  }
0xa: {  	s10 =	sadd.s32 $0x200, s1;
	s11 =	sadd.s32 $0x300, s1;
	s7 =	sshll.u32 s5, $0x8  }
0xb: {  	[smem:$0x7FF] =	sst s4;
	s8 =	ssub.s32 $0x2, s5;
	s5 =	sor.u32 s7, s6  }
0xc: {  	_ =	strace $0x80000047;
	s22 =	sshrl.u32 s8, $0x1;
	s7 =	sshll.u32 s5, $0x7  }
0xd: {  	s6 =	ssub.s32 s8, s22;
	s23 =	sshrl.u32 s5, $0x1;
	s12 =	sor.u32 $0x2000, s5  }
0xe: {  	s13 =	sor.u32 $0x4000, s5;
	s14 =	sor.u32 $0x6000, s5;
	s0 =	sadd.s32 s0, s23  }
0xf: {  	s2 =	sadd.s32 s2, s7;
	s26 =	smax.u32 s6, $0x1;
	[dreg:$0x5] =	wrdreg s0  }
0x10: {  	v2 =	vlaneseq.u32;
	s8 =	simm.s32 $0x8400;
	s24 =	sadd.s32 $0x800, s2;
	[dreg:$0x8] =	wrdreg s26  }
0x11: {  	vm0 =	vmmov $0xffff;
	v1 =	vshrl.u32 v2, $0x3;
	s7 =	simm.s32 $0xF400;
	s25 =	sadd.s32 $0x1800, s2;
	[dreg:$0x6] =	wrdreg s24  }
0x12: {  	v0 =	vand.u32 $0x7, v2;
	v2 =	vor.u32 $0x8, v2;
	v1 =	vmul.u32 $0x8, v1;
	s18 =	smov.u32 s2;
	s2 =	simm.s32 $0x0;
	[dreg:$0x7] =	wrdreg s25  }
.LBB2_1:
0x13: {  	s0 =	rddreg [dreg:$0x5]  }
0x14: {  	[tilespmem:s4], [sflag:$0x1] =	stream.linear.gather [hbm4b:s0+s4], $0x400, $0x38;
	[tilespmem:$0x18400] =	vst v63  }
0x15: {  	[dreg:$0x9] =	wrdreg s2;
	s6 =	simm.s32 $0x10400  }
0x16: {  	[tilespmem:s6], [sflag:$0x3] =	stream.linear.gather [hbm4b:s18+s4], $0x4000, $0x38;
	[tilespmem:$0x18400] =	vst v63  }
0x17: {  	s17 =	rddreg [dreg:$0x6];
	s21 =	simm.s32 $0x14400  }
0x18: {  	[tilespmem:s21], [sflag:$0x3] =	stream.linear.gather [hbm4b:s17+s4], $0x4000, $0x38;
	[tilespmem:$0x18400] =	vst v63  }
0x19: {  	_ =	swait.ge [sflag:s19], $0x400  }
0x1a: {  	[sflag:s19] =	ssyncset.done $0x0  }
0x1b: {  	[sflag:s19] =	ssyncadd.s32 $0xFFFFFC00  }
0x1c: {  	v3 =	vld [tilespmem:$0x0];
	_ =	sdelay $0x4  }
0x1d: {  	v4 =	vshll.u32 v3, $0x3  }
0x1e: {  	v3 =	vand.u32 $0x7, v3;
	v4 =	vand.u32 $0xFFFFFFC0, v4  }
0x1f: {  	v3 =	vor.u32 v3, v4  }
0x20: {  	v4 =	vperm.xlane v3, v0;
	_ =	sdelay $0x1  }
0x21: {  	v4 =	vadd.s32 v1, v4;
	_ =	sdelay $0x4  }
0x22: {  	[tilespmem:s20], [sflag:$0x1] =	stream.indirect_vreg.gather [hbm4b:s1+s4], $0x80, v4, vm0, $0xb8;
	[tilespmem:$0x18400] =	vst v63  }
0x23: {  	s22 =	simm.s32 $0xC00;
	v3 =	vperm.xlane v3, v2  }
0x24: {  	[tilespmem:s22], [sflag:$0x1] =	stream.indirect_vreg.gather [hbm4b:s9+s4], $0x80, v4, vm0, $0xb8;
	[tilespmem:$0x18400] =	vst v63  }
0x25: {  	s23 =	simm.s32 $0x1400;
	v3 =	vadd.s32 v1, v3  }
0x26: {  	[tilespmem:s23], [sflag:$0x1] =	stream.indirect_vreg.gather [hbm4b:s10+s4], $0x80, v4, vm0, $0xb8;
	[tilespmem:$0x18400] =	vst v63  }
0x27: {  	s24 =	simm.s32 $0x1C00  }
0x28: {  	[tilespmem:s24], [sflag:$0x1] =	stream.indirect_vreg.gather [hbm4b:s11+s4], $0x80, v4, vm0, $0xb8;
	[tilespmem:$0x18400] =	vst v63  }
0x29: {  	s25 =	simm.s32 $0x2400  }
0x2a: {  	[tilespmem:s25], [sflag:$0x1] =	stream.indirect_vreg.gather [hbm4b:s1+s4], $0x80, v3, vm0, $0xb8;
	[tilespmem:$0x18400] =	vst v63  }
0x2b: {  	s26 =	simm.s32 $0x2C00  }
0x2c: {  	[tilespmem:s26], [sflag:$0x1] =	stream.indirect_vreg.gather [hbm4b:s9+s4], $0x80, v3, vm0, $0xb8;
	[tilespmem:$0x18400] =	vst v63  }
0x2d: {  	s2 =	simm.s32 $0x3400  }
0x2e: {  	[tilespmem:s2], [sflag:$0x1] =	stream.indirect_vreg.gather [hbm4b:s10+s4], $0x80, v3, vm0, $0xb8;
	[tilespmem:$0x18400] =	vst v63  }
0x2f: {  	s6 =	simm.s32 $0x3C00  }
0x30: {  	[tilespmem:s6], [sflag:$0x1] =	stream.indirect_vreg.gather [hbm4b:s11+s4], $0x80, v3, vm0, $0xb8;
	[tilespmem:$0x18400] =	vst v63  }
0x31: {  	v3 =	vld [tilespmem:$0x80];
	_ =	sdelay $0x4  }
0x32: {  	v63 =	vshll.u32 v3, $0x3  }
0x33: {  	v3 =	vand.u32 $0x7, v3;
	v4 =	vand.u32 $0xFFFFFFC0, v63  }
0x34: {  	v3 =	vor.u32 v3, v4  }
0x35: {  	v4 =	vperm.xlane v3, v0;
	_ =	sdelay $0x1  }
0x36: {  	v4 =	vadd.s32 v1, v4;
	_ =	sdelay $0x4  }
0x37: {  	[tilespmem:s29], [sflag:$0x1] =	stream.indirect_vreg.gather [hbm4b:s1+s4], $0x80, v4, vm0, $0xb8;
	[tilespmem:$0x18400] =	vst v63  }
0x38: {  	s17 =	simm.s32 $0x4C00;
	v3 =	vperm.xlane v3, v2  }
0x39: {  	[tilespmem:s17], [sflag:$0x1] =	stream.indirect_vreg.gather [hbm4b:s9+s4], $0x80, v4, vm0, $0xb8;
	[tilespmem:$0x18400] =	vst v63  }
0x3a: {  	s21 =	simm.s32 $0x5400;
	v3 =	vadd.s32 v1, v3  }
0x3b: {  	[tilespmem:s21], [sflag:$0x1] =	stream.indirect_vreg.gather [hbm4b:s10+s4], $0x80, v4, vm0, $0xb8;
	[tilespmem:$0x18400] =	vst v63  }
0x3c: {  	s22 =	simm.s32 $0x5C00  }
0x3d: {  	[tilespmem:s22], [sflag:$0x1] =	stream.indirect_vreg.gather [hbm4b:s11+s4], $0x80, v4, vm0, $0xb8;
	[tilespmem:$0x18400] =	vst v63  }
0x3e: {  	s23 =	simm.s32 $0x6400  }
0x3f: {  	[tilespmem:s23], [sflag:$0x1] =	stream.indirect_vreg.gather [hbm4b:s1+s4], $0x80, v3, vm0, $0xb8;
	[tilespmem:$0x18400] =	vst v63  }
0x40: {  	s24 =	simm.s32 $0x6C00  }
0x41: {  	[tilespmem:s24], [sflag:$0x1] =	stream.indirect_vreg.gather [hbm4b:s9+s4], $0x80, v3, vm0, $0xb8;
	[tilespmem:$0x18400] =	vst v63  }
0x42: {  	s25 =	simm.s32 $0x7400  }
0x43: {  	[tilespmem:s25], [sflag:$0x1] =	stream.indirect_vreg.gather [hbm4b:s10+s4], $0x80, v3, vm0, $0xb8;
	[tilespmem:$0x18400] =	vst v63  }
0x44: {  	s26 =	simm.s32 $0x7C00;
	s21 =	simm.s32 $0x0  }
0x45: {  	[tilespmem:s26], [sflag:$0x1] =	stream.indirect_vreg.gather [hbm4b:s11+s4], $0x80, v3, vm0, $0xb8;
	[tilespmem:$0x18400] =	vst v63  }
.LBB2_2:
0x46: {  	p0 =	seq.s32 s21, $0x0  }
0x47: {  	s6 =	simm.s32 @!p0 $0x2  }
0x48: {  	s23 =	sshll.u32 s21, $0x5;
	s22 =	sshll.u32 s21, $0x7;
	_ =	swait.ge @!p0 [sflag:s6], $0x4000  }
0x49: {  	s25 =	sand.u32 $0x60, s23;
	s24 =	sand.u32 $0x200, s22;
	[sflag:s6] =	ssyncset.done @!p0 $0x0  }
0x4a: {  	s0 =	sor.u32 s25, s24;
	[sflag:s6] =	ssyncadd.s32 @!p0 $0xFFFFC000  }
0x4b: {  	v3 =	vld [tilespmem:s0+$0x100];
	_ =	sdelay $0x4  }
0x4c: {  	v4 =	vshll.u32 v3, $0x3  }
0x4d: {  	v3 =	vand.u32 $0x7, v3;
	v4 =	vand.u32 $0xFFFFFFC0, v4  }
0x4e: {  	v3 =	vor.u32 v3, v4  }
0x4f: {  	v4 =	vperm.xlane v3, v0;
	_ =	sdelay $0x1  }
0x50: {  	v4 =	vadd.s32 v1, v4;
	_ =	sdelay $0x3  }
0x51: {  	s6 =	simm.s32 $0x0  }
0x52: {  	[tilespmem:s8], [sflag:$0x1] =	stream.indirect_vreg.gather [hbm4b:s1+s6], $0x80, v4, vm0, $0xb8;
	[tilespmem:$0x18400] =	vst v63  }
0x53: {  	v3 =	vperm.xlane v3, v2  }
0x54: {  	[tilespmem:s31], [sflag:$0x1] =	stream.indirect_vreg.gather [hbm4b:s9+s6], $0x80, v4, vm0, $0xb8;
	[tilespmem:$0x18400] =	vst v63  }
0x55: {  	s0 =	simm.s32 $0x9400;
	v3 =	vadd.s32 v1, v3  }
0x56: {  	[tilespmem:s0], [sflag:$0x1] =	stream.indirect_vreg.gather [hbm4b:s10+s6], $0x80, v4, vm0, $0xb8;
	[tilespmem:$0x18400] =	vst v63  }
0x57: {  	s2 =	simm.s32 $0x9C00  }
0x58: {  	[tilespmem:s2], [sflag:$0x1] =	stream.indirect_vreg.gather [hbm4b:s11+s6], $0x80, v4, vm0, $0xb8;
	[tilespmem:$0x18400] =	vst v63  }
0x59: {  	s17 =	simm.s32 $0xA400  }
0x5a: {  	[tilespmem:s17], [sflag:$0x1] =	stream.indirect_vreg.gather [hbm4b:s1+s6], $0x80, v3, vm0, $0xb8;
	[tilespmem:$0x18400] =	vst v63  }
0x5b: {  	s25 =	simm.s32 $0xAC00  }
0x5c: {  	[tilespmem:s25], [sflag:$0x1] =	stream.indirect_vreg.gather [hbm4b:s9+s6], $0x80, v3, vm0, $0xb8;
	[tilespmem:$0x18400] =	vst v63  }
0x5d: {  	s26 =	simm.s32 $0xB400  }
0x5e: {  	[tilespmem:s26], [sflag:$0x1] =	stream.indirect_vreg.gather [hbm4b:s10+s6], $0x80, v3, vm0, $0xb8;
	[tilespmem:$0x18400] =	vst v63  }
0x5f: {  	s31 =	simm.s32 $0xBC00  }
0x60: {  	[tilespmem:s31], [sflag:$0x1] =	stream.indirect_vreg.gather [hbm4b:s11+s6], $0x80, v3, vm0, $0xb8;
	[tilespmem:$0x18400] =	vst v63  }
0x61: {  	_ =	swait.ge [sflag:s19], $0x4000  }
0x62: {  	[sflag:s19] =	ssyncset.done $0x0  }
0x63: {  	s2 =	simm.s32 $0x0;
	s17 =	simm.s32 $0x0;
	[sflag:s19] =	ssyncadd.s32 $0xFFFFC000  }
0x64: {  	s25 =	sand.u32 $0x2000, s2;
	s26 =	sand.u32 $0x1C00, s6;
	_ =	swait.ge [sflag:s28], $0x4000  }
0x65: {  	s25 =	sor.u32 s26, s25;
	s31 =	sand.u32 $0x380, s17;
	[sflag:s28] =	ssyncset.done $0x0  }
0x66: {  	s25 =	sor.u32 s31, s25;
	[sflag:s28] =	ssyncadd.s32 $0xFFFFC000  }
0x67: {  	v3 =	vld [tilespmem:s25+$0x10470]  }
0x68: {  	v8 =	vld [tilespmem:s25+$0x10400]  }
0x69: {  	v9 =	vld [tilespmem:s25+$0x10410]  }
0x6a: {  	v7 =	vld [tilespmem:s25+$0x10420]  }
0x6b: {  	v6 =	vld [tilespmem:s25+$0x10430]  }
0x6c: {  	v5 =	vld [tilespmem:s25+$0x10440]  }
0x6d: {  	v4 =	vld [tilespmem:s25+$0x10450]  }
0x6e: {  	[tilespmem:s25+$0x470] =	vst.add.f32.msk $0xffff, v3  }
0x6f: {  	v3 =	vld [tilespmem:s25+$0x10460]  }
0x70: {  	[tilespmem:s25+$0x400] =	vst.add.f32.msk $0xffff, v8  }
0x71: {  	s26 =	simm.s32 $0x0;
	[tilespmem:s25+$0x410] =	vst.add.f32.msk $0xffff, v9  }
.LBB2_3:
0x72: {  	s26 =	sadd.s32 $0x8, s26;
	[tilespmem:s25+$0x420] =	vst.add.f32.msk $0xffff, v7  }
0x73: {  	s6 =	sadd.s32 $0x400, s6;
	s31 =	sshll.u32 s26, $0x4;
	p1 =	slt.u32 s26, $0x3F8;
	[tilespmem:s25+$0x430] =	vst.add.f32.msk $0xffff, v6  }
0x74: {  	s0 =	sand.u32 $0x1C00, s6;
	s2 =	sshll.u32 s26, $0x1;
	s31 =	sand.u32 $0x2000, s31;
	[tilespmem:s25+$0x440] =	vst.add.f32.msk $0xffff, v5  }
0x75: {  	s2 =	sand.u32 $0x380, s2;
	s0 =	sor.u32 s0, s31;
	[tilespmem:s25+$0x450] =	vst.add.f32.msk $0xffff, v4  }
0x76: {  	[tilespmem:s25+$0x460] =	vst.add.f32.msk $0xffff, v3;
	s25 =	sor.u32 s2, s0  }
0x77: {  	v3 =	vld [tilespmem:s25+$0x10470]  }
0x78: {  	v8 =	vld [tilespmem:s25+$0x10400]  }
0x79: {  	v9 =	vld [tilespmem:s25+$0x10410]  }
0x7a: {  	v7 =	vld [tilespmem:s25+$0x10420]  }
0x7b: {  	v6 =	vld [tilespmem:s25+$0x10430]  }
0x7c: {  	[tilespmem:s25+$0x470] =	vst.add.f32.msk $0xffff, v3  }
.Ltmp0:
0x7d: {  	v5 =	vld [tilespmem:s25+$0x10440];
	(pc) =	sbr.rel @p1 .LBB2_3-.Ltmp0, $4  }
0x7e: {  	v4 =	vld [tilespmem:s25+$0x10450]  }
0x7f: {  	v3 =	vld [tilespmem:s25+$0x10460]  }
0x80: {  	[tilespmem:s25+$0x400] =	vst.add.f32.msk $0xffff, v8  }
0x81: {  	[tilespmem:s25+$0x410] =	vst.add.f32.msk $0xffff, v9  }
0x82: {  	[tilespmem:s25+$0x420] =	vst.add.f32.msk $0xffff, v7  }
0x83: {  	[tilespmem:s25+$0x430] =	vst.add.f32.msk $0xffff, v6  }
0x84: {  	[tilespmem:s25+$0x440] =	vst.add.f32.msk $0xffff, v5;
	s0 =	sadd.s32 s5, s23  }
0x85: {  	[tilespmem:s25+$0x450] =	vst.add.f32.msk $0xffff, v4;
	s0 =	sshll.u32 s0, $0x7  }
0x86: {  	[tilespmem:s25+$0x460] =	vst.add.f32.msk $0xffff, v3;
	s0 =	sadd.s32 s3, s0  }
0x87: {  	[hbm4b:s0+s4] =	stream.linear.scatter [tilespmem:s20], [sflag:$0x2], $0x4000, $0x38;
	[tilespmem:$0x18400] =	vst v63  }
0x88: {  	s0 =	simm.s32 @!p0 $0x2  }
0x89: {  	_ =	swait.ge @!p0 [sflag:s0], $0x4000  }
0x8a: {  	s2 =	sor.u32 s23, s22;
	[sflag:s0] =	ssyncset.done @!p0 $0x0  }
0x8b: {  	s17 =	sor.u32 $0x180, s2;
	[sflag:s0] =	ssyncadd.s32 @!p0 $0xFFFFC000  }
0x8c: {  	v3 =	vld [tilespmem:s17+$0x0];
	_ =	sdelay $0x4  }
0x8d: {  	v4 =	vshll.u32 v3, $0x3  }
0x8e: {  	v3 =	vand.u32 $0x7, v3;
	v4 =	vand.u32 $0xFFFFFFC0, v4  }
0x8f: {  	v3 =	vor.u32 v3, v4  }
0x90: {  	v4 =	vperm.xlane v3, v0;
	_ =	sdelay $0x1  }
0x91: {  	v4 =	vadd.s32 v1, v4;
	_ =	sdelay $0x3  }
0x92: {  	s6 =	simm.s32 $0x0  }
0x93: {  	[tilespmem:s30], [sflag:$0x1] =	stream.indirect_vreg.gather [hbm4b:s1+s6], $0x80, v4, vm0, $0xb8;
	[tilespmem:$0x18400] =	vst v63  }
0x94: {  	s25 =	simm.s32 $0xCC00;
	v3 =	vperm.xlane v3, v2  }
0x95: {  	[tilespmem:s25], [sflag:$0x1] =	stream.indirect_vreg.gather [hbm4b:s9+s6], $0x80, v4, vm0, $0xb8;
	[tilespmem:$0x18400] =	vst v63  }
0x96: {  	s26 =	simm.s32 $0xD400;
	v3 =	vadd.s32 v1, v3  }
0x97: {  	[tilespmem:s26], [sflag:$0x1] =	stream.indirect_vreg.gather [hbm4b:s10+s6], $0x80, v4, vm0, $0xb8;
	[tilespmem:$0x18400] =	vst v63  }
0x98: {  	s31 =	simm.s32 $0xDC00  }
0x99: {  	[tilespmem:s31], [sflag:$0x1] =	stream.indirect_vreg.gather [hbm4b:s11+s6], $0x80, v4, vm0, $0xb8;
	[tilespmem:$0x18400] =	vst v63  }
0x9a: {  	s2 =	simm.s32 $0xE400  }
0x9b: {  	[tilespmem:s2], [sflag:$0x1] =	stream.indirect_vreg.gather [hbm4b:s1+s6], $0x80, v3, vm0, $0xb8;
	[tilespmem:$0x18400] =	vst v63  }
0x9c: {  	s17 =	simm.s32 $0xEC00  }
0x9d: {  	[tilespmem:s17], [sflag:$0x1] =	stream.indirect_vreg.gather [hbm4b:s9+s6], $0x80, v3, vm0, $0xb8;
	[tilespmem:$0x18400] =	vst v63  }
0x9e: {  	s25 =	simm.s32 $0x0  }
0x9f: {  	[tilespmem:s7], [sflag:$0x1] =	stream.indirect_vreg.gather [hbm4b:s10+s6], $0x80, v3, vm0, $0xb8;
	[tilespmem:$0x18400] =	vst v63  }
0xa0: {  	s0 =	sand.u32 $0x2000, s25  }
0xa1: {  	[tilespmem:s15], [sflag:$0x1] =	stream.indirect_vreg.gather [hbm4b:s11+s6], $0x80, v3, vm0, $0xb8;
	[tilespmem:$0x18400] =	vst v63  }
0xa2: {  	s26 =	sand.u32 $0x1C00, s6;
	s31 =	simm.s32 $0x0;
	_ =	swait.ge [sflag:s19], $0x4000  }
0xa3: {  	s0 =	sor.u32 s26, s0;
	s25 =	sand.u32 $0x380, s31;
	[sflag:s19] =	ssyncset.done $0x0  }
0xa4: {  	s25 =	sor.u32 s25, s0;
	[sflag:s19] =	ssyncadd.s32 $0xFFFFC000  }
0xa5: {  	s0 =	sadd.s32 $0x10400, s25;
	v3 =	vld [tilespmem:s25+$0x10400]  }
0xa6: {  	v4 =	vld [tilespmem:s0+$0x70]  }
0xa7: {  	v8 =	vld [tilespmem:s0+$0x10]  }
0xa8: {  	v9 =	vld [tilespmem:s0+$0x20]  }
0xa9: {  	v7 =	vld [tilespmem:s0+$0x30]  }
0xaa: {  	v6 =	vld [tilespmem:s0+$0x40]  }
0xab: {  	v5 =	vld [tilespmem:s0+$0x50]  }
0xac: {  	[tilespmem:s25+$0x4470] =	vst.add.f32.msk $0xffff, v4  }
0xad: {  	v4 =	vld [tilespmem:s0+$0x60]  }
0xae: {  	[tilespmem:s25+$0x4410] =	vst.add.f32.msk $0xffff, v8  }
0xaf: {  	s26 =	simm.s32 $0x0;
	[tilespmem:s25+$0x4420] =	vst.add.f32.msk $0xffff, v9  }
.LBB2_5:
0xb0: {  	s26 =	sadd.s32 $0x8, s26;
	[tilespmem:s25+$0x4430] =	vst.add.f32.msk $0xffff, v7  }
0xb1: {  	s6 =	sadd.s32 $0x400, s6;
	s0 =	sshll.u32 s26, $0x4;
	p0 =	slt.u32 s26, $0x3F8;
	[tilespmem:s25+$0x4440] =	vst.add.f32.msk $0xffff, v6  }
0xb2: {  	s2 =	sand.u32 $0x1C00, s6;
	s31 =	sshll.u32 s26, $0x1;
	s0 =	sand.u32 $0x2000, s0;
	[tilespmem:s25+$0x4450] =	vst.add.f32.msk $0xffff, v5  }
0xb3: {  	s31 =	sand.u32 $0x380, s31;
	s0 =	sor.u32 s2, s0;
	[tilespmem:s25+$0x4460] =	vst.add.f32.msk $0xffff, v4  }
0xb4: {  	[tilespmem:s25+$0x4400] =	vst.add.f32.msk $0xffff, v3;
	s25 =	sor.u32 s31, s0  }
0xb5: {  	s0 =	sadd.s32 $0x10400, s25;
	v3 =	vld [tilespmem:s25+$0x10400]  }
0xb6: {  	v4 =	vld [tilespmem:s0+$0x70]  }
0xb7: {  	v8 =	vld [tilespmem:s0+$0x10]  }
0xb8: {  	v9 =	vld [tilespmem:s0+$0x20]  }
0xb9: {  	v7 =	vld [tilespmem:s0+$0x30]  }
0xba: {  	v6 =	vld [tilespmem:s0+$0x40]  }
.Ltmp1:
0xbb: {  	[tilespmem:s25+$0x4470] =	vst.add.f32.msk $0xffff, v4;
	(pc) =	sbr.rel @p0 .LBB2_5-.Ltmp1, $4  }
0xbc: {  	v5 =	vld [tilespmem:s0+$0x50]  }
0xbd: {  	v4 =	vld [tilespmem:s0+$0x60]  }
0xbe: {  	[tilespmem:s25+$0x4410] =	vst.add.f32.msk $0xffff, v8  }
0xbf: {  	[tilespmem:s25+$0x4420] =	vst.add.f32.msk $0xffff, v9  }
0xc0: {  	[tilespmem:s25+$0x4430] =	vst.add.f32.msk $0xffff, v7  }
0xc1: {  	[tilespmem:s25+$0x4440] =	vst.add.f32.msk $0xffff, v6  }
0xc2: {  	s0 =	sadd.s32 s12, s23;
	[tilespmem:s25+$0x4400] =	vst.add.f32.msk $0xffff, v3  }
0xc3: {  	[tilespmem:s25+$0x4450] =	vst.add.f32.msk $0xffff, v5;
	s0 =	sshll.u32 s0, $0x7  }
0xc4: {  	s26 =	simm.s32 $0x0;
	[tilespmem:s25+$0x4460] =	vst.add.f32.msk $0xffff, v4;
	s0 =	sadd.s32 s3, s0  }
0xc5: {  	[hbm4b:s0+s26] =	stream.linear.scatter [tilespmem:s29], [sflag:$0x2], $0x4000, $0x38;
	[tilespmem:$0x18400] =	vst v63  }
0xc6: {  	s6 =	sor.u32 $0x10, s23;
	_ =	swait.ge [sflag:s16], $0x4000  }
0xc7: {  	s17 =	sand.u32 $0x70, s6;
	[sflag:s16] =	ssyncset.done $0x0  }
0xc8: {  	s25 =	sadd.s32 s17, s24;
	[sflag:s16] =	ssyncadd.s32 $0xFFFFC000  }
0xc9: {  	v3 =	vld [tilespmem:s25+$0x0];
	_ =	sdelay $0x4  }
0xca: {  	v4 =	vshll.u32 v3, $0x3  }
0xcb: {  	v3 =	vand.u32 $0x7, v3;
	v4 =	vand.u32 $0xFFFFFFC0, v4  }
0xcc: {  	v3 =	vor.u32 v3, v4  }
0xcd: {  	v4 =	vperm.xlane v3, v0;
	_ =	sdelay $0x1  }
0xce: {  	v4 =	vadd.s32 v1, v4;
	_ =	sdelay $0x4  }
0xcf: {  	[tilespmem:s20], [sflag:$0x1] =	stream.indirect_vreg.gather [hbm4b:s1+s26], $0x80, v4, vm0, $0xb8;
	[tilespmem:$0x18400] =	vst v63  }
0xd0: {  	s24 =	simm.s32 $0xC00;
	v3 =	vperm.xlane v3, v2  }
0xd1: {  	[tilespmem:s24], [sflag:$0x1] =	stream.indirect_vreg.gather [hbm4b:s9+s26], $0x80, v4, vm0, $0xb8;
	[tilespmem:$0x18400] =	vst v63  }
0xd2: {  	s2 =	simm.s32 $0x1400;
	v3 =	vadd.s32 v1, v3  }
0xd3: {  	[tilespmem:s2], [sflag:$0x1] =	stream.indirect_vreg.gather [hbm4b:s10+s26], $0x80, v4, vm0, $0xb8;
	[tilespmem:$0x18400] =	vst v63  }
0xd4: {  	s17 =	simm.s32 $0x1C00  }
0xd5: {  	[tilespmem:s17], [sflag:$0x1] =	stream.indirect_vreg.gather [hbm4b:s11+s26], $0x80, v4, vm0, $0xb8;
	[tilespmem:$0x18400] =	vst v63  }
0xd6: {  	s24 =	simm.s32 $0x2400  }
0xd7: {  	[tilespmem:s24], [sflag:$0x1] =	stream.indirect_vreg.gather [hbm4b:s1+s26], $0x80, v3, vm0, $0xb8;
	[tilespmem:$0x18400] =	vst v63  }
0xd8: {  	s2 =	simm.s32 $0x2C00  }
0xd9: {  	[tilespmem:s2], [sflag:$0x1] =	stream.indirect_vreg.gather [hbm4b:s9+s26], $0x80, v3, vm0, $0xb8;
	[tilespmem:$0x18400] =	vst v63  }
0xda: {  	s17 =	simm.s32 $0x3400;
	s2 =	simm.s32 $0x0  }
0xdb: {  	[tilespmem:s17], [sflag:$0x1] =	stream.indirect_vreg.gather [hbm4b:s10+s26], $0x80, v3, vm0, $0xb8;
	[tilespmem:$0x18400] =	vst v63  }
0xdc: {  	s24 =	simm.s32 $0x3C00;
	s0 =	sand.u32 $0x2000, s2  }
0xdd: {  	[tilespmem:s24], [sflag:$0x1] =	stream.indirect_vreg.gather [hbm4b:s11+s26], $0x80, v3, vm0, $0xb8;
	[tilespmem:$0x18400] =	vst v63  }
0xde: {  	s2 =	sand.u32 $0x1C00, s26;
	s17 =	simm.s32 $0x0;
	_ =	swait.ge [sflag:s19], $0x4000  }
0xdf: {  	s0 =	sor.u32 s2, s0;
	s24 =	sand.u32 $0x380, s17;
	[sflag:s19] =	ssyncset.done $0x0  }
0xe0: {  	s24 =	sor.u32 s24, s0;
	[sflag:s19] =	ssyncadd.s32 $0xFFFFC000  }
0xe1: {  	s0 =	sadd.s32 $0x10400, s24;
	v3 =	vld [tilespmem:s24+$0x10400]  }
0xe2: {  	v4 =	vld [tilespmem:s0+$0x70]  }
0xe3: {  	v8 =	vld [tilespmem:s0+$0x10]  }
0xe4: {  	v9 =	vld [tilespmem:s0+$0x20]  }
0xe5: {  	v7 =	vld [tilespmem:s0+$0x30]  }
0xe6: {  	v6 =	vld [tilespmem:s0+$0x40]  }
0xe7: {  	v5 =	vld [tilespmem:s0+$0x50]  }
0xe8: {  	[tilespmem:s24+$0x8470] =	vst.add.f32.msk $0xffff, v4  }
0xe9: {  	v4 =	vld [tilespmem:s0+$0x60]  }
0xea: {  	[tilespmem:s24+$0x8410] =	vst.add.f32.msk $0xffff, v8  }
0xeb: {  	s31 =	simm.s32 $0x0;
	[tilespmem:s24+$0x8420] =	vst.add.f32.msk $0xffff, v9  }
.LBB2_7:
0xec: {  	s31 =	sadd.s32 $0x8, s31;
	[tilespmem:s24+$0x8430] =	vst.add.f32.msk $0xffff, v7  }
0xed: {  	s26 =	sadd.s32 $0x400, s26;
	s0 =	sshll.u32 s31, $0x4;
	p0 =	slt.u32 s31, $0x3F8;
	[tilespmem:s24+$0x8440] =	vst.add.f32.msk $0xffff, v6  }
0xee: {  	s2 =	sand.u32 $0x1C00, s26;
	s17 =	sshll.u32 s31, $0x1;
	s0 =	sand.u32 $0x2000, s0;
	[tilespmem:s24+$0x8450] =	vst.add.f32.msk $0xffff, v5  }
0xef: {  	s17 =	sand.u32 $0x380, s17;
	s0 =	sor.u32 s2, s0;
	[tilespmem:s24+$0x8460] =	vst.add.f32.msk $0xffff, v4  }
0xf0: {  	[tilespmem:s24+$0x8400] =	vst.add.f32.msk $0xffff, v3;
	s24 =	sor.u32 s17, s0  }
0xf1: {  	s0 =	sadd.s32 $0x10400, s24;
	v3 =	vld [tilespmem:s24+$0x10400]  }
0xf2: {  	v4 =	vld [tilespmem:s0+$0x70]  }
0xf3: {  	v8 =	vld [tilespmem:s0+$0x10]  }
0xf4: {  	v9 =	vld [tilespmem:s0+$0x20]  }
0xf5: {  	v7 =	vld [tilespmem:s0+$0x30]  }
0xf6: {  	v6 =	vld [tilespmem:s0+$0x40]  }
.Ltmp2:
0xf7: {  	[tilespmem:s24+$0x8470] =	vst.add.f32.msk $0xffff, v4;
	(pc) =	sbr.rel @p0 .LBB2_7-.Ltmp2, $4  }
0xf8: {  	v5 =	vld [tilespmem:s0+$0x50]  }
0xf9: {  	v4 =	vld [tilespmem:s0+$0x60]  }
0xfa: {  	[tilespmem:s24+$0x8410] =	vst.add.f32.msk $0xffff, v8  }
0xfb: {  	[tilespmem:s24+$0x8420] =	vst.add.f32.msk $0xffff, v9  }
0xfc: {  	[tilespmem:s24+$0x8430] =	vst.add.f32.msk $0xffff, v7  }
0xfd: {  	[tilespmem:s24+$0x8440] =	vst.add.f32.msk $0xffff, v6  }
0xfe: {  	s0 =	sadd.s32 s13, s23;
	[tilespmem:s24+$0x8400] =	vst.add.f32.msk $0xffff, v3  }
0xff: {  	[tilespmem:s24+$0x8450] =	vst.add.f32.msk $0xffff, v5;
	s0 =	sshll.u32 s0, $0x7  }
0x100: {  	[tilespmem:s24+$0x8460] =	vst.add.f32.msk $0xffff, v4;
	s0 =	sadd.s32 s3, s0;
	s24 =	simm.s32 $0x0  }
0x101: {  	[hbm4b:s0+s24] =	stream.linear.scatter [tilespmem:s8], [sflag:$0x2], $0x4000, $0x38;
	[tilespmem:$0x18400] =	vst v63  }
0x102: {  	_ =	swait.ge [sflag:s16], $0x4000  }
0x103: {  	[sflag:s16] =	ssyncset.done $0x0  }
0x104: {  	[sflag:s16] =	ssyncadd.s32 $0xFFFFC000  }
0x105: {  	v3 =	vld [tilespmem:s25+$0x80];
	_ =	sdelay $0x4  }
0x106: {  	v4 =	vshll.u32 v3, $0x3  }
0x107: {  	v3 =	vand.u32 $0x7, v3;
	v4 =	vand.u32 $0xFFFFFFC0, v4  }
0x108: {  	v3 =	vor.u32 v3, v4  }
0x109: {  	v4 =	vperm.xlane v3, v0;
	_ =	sdelay $0x1  }
0x10a: {  	v4 =	vadd.s32 v1, v4;
	_ =	sdelay $0x4  }
0x10b: {  	[tilespmem:s29], [sflag:$0x1] =	stream.indirect_vreg.gather [hbm4b:s1+s24], $0x80, v4, vm0, $0xb8;
	[tilespmem:$0x18400] =	vst v63  }
0x10c: {  	s17 =	simm.s32 $0x4C00;
	v3 =	vperm.xlane v3, v2  }
0x10d: {  	[tilespmem:s17], [sflag:$0x1] =	stream.indirect_vreg.gather [hbm4b:s9+s24], $0x80, v4, vm0, $0xb8;
	[tilespmem:$0x18400] =	vst v63  }
0x10e: {  	s26 =	simm.s32 $0x5400;
	v3 =	vadd.s32 v1, v3  }
0x10f: {  	[tilespmem:s26], [sflag:$0x1] =	stream.indirect_vreg.gather [hbm4b:s10+s24], $0x80, v4, vm0, $0xb8;
	[tilespmem:$0x18400] =	vst v63  }
0x110: {  	s2 =	simm.s32 $0x5C00  }
0x111: {  	[tilespmem:s2], [sflag:$0x1] =	stream.indirect_vreg.gather [hbm4b:s11+s24], $0x80, v4, vm0, $0xb8;
	[tilespmem:$0x18400] =	vst v63  }
0x112: {  	s17 =	simm.s32 $0x6400  }
0x113: {  	[tilespmem:s17], [sflag:$0x1] =	stream.indirect_vreg.gather [hbm4b:s1+s24], $0x80, v3, vm0, $0xb8;
	[tilespmem:$0x18400] =	vst v63  }
0x114: {  	s26 =	simm.s32 $0x6C00  }
0x115: {  	[tilespmem:s26], [sflag:$0x1] =	stream.indirect_vreg.gather [hbm4b:s9+s24], $0x80, v3, vm0, $0xb8;
	[tilespmem:$0x18400] =	vst v63  }
0x116: {  	s2 =	simm.s32 $0x7400;
	s26 =	simm.s32 $0x0  }
0x117: {  	[tilespmem:s2], [sflag:$0x1] =	stream.indirect_vreg.gather [hbm4b:s10+s24], $0x80, v3, vm0, $0xb8;
	[tilespmem:$0x18400] =	vst v63  }
0x118: {  	s17 =	simm.s32 $0x7C00;
	s0 =	sand.u32 $0x2000, s26  }
0x119: {  	[tilespmem:s17], [sflag:$0x1] =	stream.indirect_vreg.gather [hbm4b:s11+s24], $0x80, v3, vm0, $0xb8;
	[tilespmem:$0x18400] =	vst v63  }
0x11a: {  	s2 =	sand.u32 $0x1C00, s24;
	s17 =	simm.s32 $0x0;
	_ =	swait.ge [sflag:s19], $0x4000  }
0x11b: {  	s0 =	sor.u32 s2, s0;
	s17 =	sand.u32 $0x380, s17;
	[sflag:s19] =	ssyncset.done $0x0  }
0x11c: {  	s26 =	sor.u32 s17, s0;
	[sflag:s19] =	ssyncadd.s32 $0xFFFFC000  }
0x11d: {  	s0 =	sadd.s32 $0x10400, s26;
	v3 =	vld [tilespmem:s26+$0x10400]  }
0x11e: {  	v4 =	vld [tilespmem:s0+$0x70]  }
0x11f: {  	v8 =	vld [tilespmem:s0+$0x10]  }
0x120: {  	v9 =	vld [tilespmem:s0+$0x20]  }
0x121: {  	v7 =	vld [tilespmem:s0+$0x30]  }
0x122: {  	v6 =	vld [tilespmem:s0+$0x40]  }
0x123: {  	v5 =	vld [tilespmem:s0+$0x50]  }
0x124: {  	[tilespmem:s26+$0xC470] =	vst.add.f32.msk $0xffff, v4  }
0x125: {  	v4 =	vld [tilespmem:s0+$0x60]  }
0x126: {  	[tilespmem:s26+$0xC410] =	vst.add.f32.msk $0xffff, v8  }
0x127: {  	s31 =	simm.s32 $0x0;
	[tilespmem:s26+$0xC420] =	vst.add.f32.msk $0xffff, v9  }
.LBB2_9:
0x128: {  	s31 =	sadd.s32 $0x8, s31;
	[tilespmem:s26+$0xC430] =	vst.add.f32.msk $0xffff, v7  }
0x129: {  	s24 =	sadd.s32 $0x400, s24;
	s0 =	sshll.u32 s31, $0x4;
	p0 =	slt.u32 s31, $0x3F8;
	[tilespmem:s26+$0xC440] =	vst.add.f32.msk $0xffff, v6  }
0x12a: {  	s2 =	sand.u32 $0x1C00, s24;
	s17 =	sshll.u32 s31, $0x1;
	s0 =	sand.u32 $0x2000, s0;
	[tilespmem:s26+$0xC450] =	vst.add.f32.msk $0xffff, v5  }
0x12b: {  	s17 =	sand.u32 $0x380, s17;
	s0 =	sor.u32 s2, s0;
	[tilespmem:s26+$0xC460] =	vst.add.f32.msk $0xffff, v4  }
0x12c: {  	[tilespmem:s26+$0xC400] =	vst.add.f32.msk $0xffff, v3;
	s26 =	sor.u32 s17, s0  }
0x12d: {  	s0 =	sadd.s32 $0x10400, s26;
	v3 =	vld [tilespmem:s26+$0x10400]  }
0x12e: {  	v4 =	vld [tilespmem:s0+$0x70]  }
0x12f: {  	v8 =	vld [tilespmem:s0+$0x10]  }
0x130: {  	v9 =	vld [tilespmem:s0+$0x20]  }
0x131: {  	v7 =	vld [tilespmem:s0+$0x30]  }
0x132: {  	v6 =	vld [tilespmem:s0+$0x40]  }
.Ltmp3:
0x133: {  	[tilespmem:s26+$0xC470] =	vst.add.f32.msk $0xffff, v4;
	(pc) =	sbr.rel @p0 .LBB2_9-.Ltmp3, $4  }
0x134: {  	v5 =	vld [tilespmem:s0+$0x50]  }
0x135: {  	v4 =	vld [tilespmem:s0+$0x60]  }
0x136: {  	[tilespmem:s26+$0xC410] =	vst.add.f32.msk $0xffff, v8  }
0x137: {  	[tilespmem:s26+$0xC420] =	vst.add.f32.msk $0xffff, v9  }
0x138: {  	[tilespmem:s26+$0xC430] =	vst.add.f32.msk $0xffff, v7  }
0x139: {  	[tilespmem:s26+$0xC440] =	vst.add.f32.msk $0xffff, v6;
	s0 =	sshll.u32 s21, $0x1  }
0x13a: {  	p0 =	seq.s32 s21, $0x7;
	[tilespmem:s26+$0xC400] =	vst.add.f32.msk $0xffff, v3;
	s24 =	sadd.s32 $0x2, s0  }
0x13b: {  	s23 =	sadd.s32 s14, s23;
	[tilespmem:s26+$0xC450] =	vst.add.f32.msk $0xffff, v5;
	s0 =	sshll.u32 @!p0 s24, $0xB  }
0x13c: {  	s2 =	simm.s32 @!p0 $0x0;
	s17 =	simm.s32 @!p0 $0x10400;
	[tilespmem:s26+$0xC460] =	vst.add.f32.msk $0xffff, v4;
	s0 =	sadd.s32 @!p0 s0, s18  }
0x13d: {  	[tilespmem:s17], [sflag:$0x3] =	stream.linear.gather @!p0 [hbm4b:s0+s2], $0x4000, $0x38;
	[tilespmem:$0x18400] =	vst v63  }
0x13e: {  	s0 =	sshll.u32 s23, $0x7  }
0x13f: {  	s23 =	simm.s32 $0x0;
	s0 =	sadd.s32 s3, s0  }
0x140: {  	[hbm4b:s0+s23] =	stream.linear.scatter [tilespmem:s30], [sflag:$0x2], $0x4000, $0x38;
	[tilespmem:$0x18400] =	vst v63  }
0x141: {  	_ =	swait.ge [sflag:s16], $0x4000  }
0x142: {  	[sflag:s16] =	ssyncset.done $0x0  }
0x143: {  	[sflag:s16] =	ssyncadd.s32 $0xFFFFC000  }
0x144: {  	v3 =	vld [tilespmem:s25+$0x100];
	_ =	sdelay $0x4  }
0x145: {  	v4 =	vshll.u32 v3, $0x3  }
0x146: {  	v3 =	vand.u32 $0x7, v3;
	v4 =	vand.u32 $0xFFFFFFC0, v4  }
0x147: {  	v3 =	vor.u32 v3, v4  }
0x148: {  	v4 =	vperm.xlane v3, v0;
	_ =	sdelay $0x1  }
0x149: {  	v4 =	vadd.s32 v1, v4;
	_ =	sdelay $0x4  }
0x14a: {  	[tilespmem:s8], [sflag:$0x1] =	stream.indirect_vreg.gather [hbm4b:s1+s23], $0x80, v4, vm0, $0xb8;
	[tilespmem:$0x18400] =	vst v63  }
0x14b: {  	s31 =	simm.s32 $0x8C00;
	v3 =	vperm.xlane v3, v2  }
0x14c: {  	[tilespmem:s31], [sflag:$0x1] =	stream.indirect_vreg.gather [hbm4b:s9+s23], $0x80, v4, vm0, $0xb8;
	[tilespmem:$0x18400] =	vst v63  }
0x14d: {  	s26 =	simm.s32 $0x9400;
	v3 =	vadd.s32 v1, v3  }
0x14e: {  	[tilespmem:s26], [sflag:$0x1] =	stream.indirect_vreg.gather [hbm4b:s10+s23], $0x80, v4, vm0, $0xb8;
	[tilespmem:$0x18400] =	vst v63  }
0x14f: {  	s2 =	simm.s32 $0x9C00  }
0x150: {  	[tilespmem:s2], [sflag:$0x1] =	stream.indirect_vreg.gather [hbm4b:s11+s23], $0x80, v4, vm0, $0xb8;
	[tilespmem:$0x18400] =	vst v63  }
0x151: {  	s17 =	simm.s32 $0xA400  }
0x152: {  	[tilespmem:s17], [sflag:$0x1] =	stream.indirect_vreg.gather [hbm4b:s1+s23], $0x80, v3, vm0, $0xb8;
	[tilespmem:$0x18400] =	vst v63  }
0x153: {  	s25 =	simm.s32 $0xAC00  }
0x154: {  	[tilespmem:s25], [sflag:$0x1] =	stream.indirect_vreg.gather [hbm4b:s9+s23], $0x80, v3, vm0, $0xb8;
	[tilespmem:$0x18400] =	vst v63  }
0x155: {  	s26 =	simm.s32 $0xB400  }
0x156: {  	[tilespmem:s26], [sflag:$0x1] =	stream.indirect_vreg.gather [hbm4b:s10+s23], $0x80, v3, vm0, $0xb8;
	[tilespmem:$0x18400] =	vst v63  }
0x157: {  	s2 =	simm.s32 $0xBC00  }
0x158: {  	[tilespmem:s2], [sflag:$0x1] =	stream.indirect_vreg.gather [hbm4b:s11+s23], $0x80, v3, vm0, $0xb8;
	[tilespmem:$0x18400] =	vst v63  }
0x159: {  	_ =	swait.ge [sflag:s19], $0x4000  }
0x15a: {  	s17 =	simm.s32 $0x0;
	[sflag:s19] =	ssyncset.done $0x0  }
0x15b: {  	s0 =	sand.u32 $0x2000, s17;
	[sflag:s19] =	ssyncadd.s32 $0xFFFFC000  }
0x15c: {  	s25 =	sand.u32 $0x1C00, s23;
	s26 =	simm.s32 $0x0;
	_ =	swait.ge [sflag:s28], $0x4000  }
0x15d: {  	s0 =	sor.u32 s25, s0;
	s17 =	sand.u32 $0x380, s26;
	[sflag:s28] =	ssyncset.done $0x0  }
0x15e: {  	s25 =	sor.u32 s17, s0;
	[sflag:s28] =	ssyncadd.s32 $0xFFFFC000  }
0x15f: {  	s0 =	sadd.s32 $0x10400, s25;
	v3 =	vld [tilespmem:s25+$0x14400]  }
0x160: {  	v4 =	vld [tilespmem:s0+$0x4070]  }
0x161: {  	v8 =	vld [tilespmem:s0+$0x4010]  }
0x162: {  	v9 =	vld [tilespmem:s0+$0x4020]  }
0x163: {  	v7 =	vld [tilespmem:s0+$0x4030]  }
0x164: {  	v6 =	vld [tilespmem:s0+$0x4040]  }
0x165: {  	v5 =	vld [tilespmem:s0+$0x4050]  }
0x166: {  	[tilespmem:s25+$0x470] =	vst.add.f32.msk $0xffff, v4  }
0x167: {  	v4 =	vld [tilespmem:s0+$0x4060]  }
0x168: {  	[tilespmem:s25+$0x410] =	vst.add.f32.msk $0xffff, v8  }
0x169: {  	s26 =	simm.s32 $0x0;
	[tilespmem:s25+$0x420] =	vst.add.f32.msk $0xffff, v9  }
.LBB2_11:
0x16a: {  	s26 =	sadd.s32 $0x8, s26;
	[tilespmem:s25+$0x430] =	vst.add.f32.msk $0xffff, v7  }
0x16b: {  	s23 =	sadd.s32 $0x400, s23;
	s0 =	sshll.u32 s26, $0x4;
	p1 =	slt.u32 s26, $0x3F8;
	[tilespmem:s25+$0x440] =	vst.add.f32.msk $0xffff, v6  }
0x16c: {  	s2 =	sand.u32 $0x1C00, s23;
	s17 =	sshll.u32 s26, $0x1;
	s0 =	sand.u32 $0x2000, s0;
	[tilespmem:s25+$0x450] =	vst.add.f32.msk $0xffff, v5  }
0x16d: {  	s17 =	sand.u32 $0x380, s17;
	s0 =	sor.u32 s2, s0;
	[tilespmem:s25+$0x460] =	vst.add.f32.msk $0xffff, v4  }
0x16e: {  	[tilespmem:s25+$0x400] =	vst.add.f32.msk $0xffff, v3;
	s25 =	sor.u32 s17, s0  }
0x16f: {  	v3 =	vld [tilespmem:s25+$0x14400];
	s0 =	sadd.s32 $0x10400, s25  }
0x170: {  	v4 =	vld [tilespmem:s0+$0x4070]  }
0x171: {  	v8 =	vld [tilespmem:s0+$0x4010]  }
0x172: {  	v9 =	vld [tilespmem:s0+$0x4020]  }
0x173: {  	v7 =	vld [tilespmem:s0+$0x4030]  }
0x174: {  	v6 =	vld [tilespmem:s0+$0x4040]  }
.Ltmp4:
0x175: {  	[tilespmem:s25+$0x470] =	vst.add.f32.msk $0xffff, v4;
	(pc) =	sbr.rel @p1 .LBB2_11-.Ltmp4, $4  }
0x176: {  	v5 =	vld [tilespmem:s0+$0x4050]  }
0x177: {  	v4 =	vld [tilespmem:s0+$0x4060]  }
0x178: {  	[tilespmem:s25+$0x410] =	vst.add.f32.msk $0xffff, v8  }
0x179: {  	[tilespmem:s25+$0x420] =	vst.add.f32.msk $0xffff, v9  }
0x17a: {  	[tilespmem:s25+$0x430] =	vst.add.f32.msk $0xffff, v7  }
0x17b: {  	[tilespmem:s25+$0x440] =	vst.add.f32.msk $0xffff, v6  }
0x17c: {  	s0 =	sadd.s32 s5, s6;
	[tilespmem:s25+$0x400] =	vst.add.f32.msk $0xffff, v3  }
0x17d: {  	[tilespmem:s25+$0x450] =	vst.add.f32.msk $0xffff, v5;
	s0 =	sshll.u32 s0, $0x7  }
0x17e: {  	s23 =	simm.s32 $0x0;
	[tilespmem:s25+$0x460] =	vst.add.f32.msk $0xffff, v4;
	s0 =	sadd.s32 s3, s0  }
0x17f: {  	[hbm4b:s0+s23] =	stream.linear.scatter [tilespmem:s20], [sflag:$0x2], $0x4000, $0x38;
	[tilespmem:$0x18400] =	vst v63  }
0x180: {  	_ =	swait.ge [sflag:s16], $0x4000  }
0x181: {  	s22 =	sor.u32 s6, s22;
	[sflag:s16] =	ssyncset.done $0x0  }
0x182: {  	s0 =	sor.u32 $0x180, s22;
	[sflag:s16] =	ssyncadd.s32 $0xFFFFC000  }
0x183: {  	v3 =	vld [tilespmem:s0+$0x0];
	_ =	sdelay $0x4  }
0x184: {  	v4 =	vshll.u32 v3, $0x3  }
0x185: {  	v3 =	vand.u32 $0x7, v3;
	v4 =	vand.u32 $0xFFFFFFC0, v4  }
0x186: {  	v3 =	vor.u32 v3, v4  }
0x187: {  	v4 =	vperm.xlane v3, v0;
	_ =	sdelay $0x1  }
0x188: {  	v4 =	vadd.s32 v1, v4;
	_ =	sdelay $0x4  }
0x189: {  	[tilespmem:s30], [sflag:$0x1] =	stream.indirect_vreg.gather [hbm4b:s1+s23], $0x80, v4, vm0, $0xb8;
	[tilespmem:$0x18400] =	vst v63  }
0x18a: {  	s25 =	simm.s32 $0xCC00;
	v3 =	vperm.xlane v3, v2  }
0x18b: {  	[tilespmem:s25], [sflag:$0x1] =	stream.indirect_vreg.gather [hbm4b:s9+s23], $0x80, v4, vm0, $0xb8;
	[tilespmem:$0x18400] =	vst v63  }
0x18c: {  	s26 =	simm.s32 $0xD400;
	v3 =	vadd.s32 v1, v3  }
0x18d: {  	[tilespmem:s26], [sflag:$0x1] =	stream.indirect_vreg.gather [hbm4b:s10+s23], $0x80, v4, vm0, $0xb8;
	[tilespmem:$0x18400] =	vst v63  }
0x18e: {  	s2 =	simm.s32 $0xDC00  }
0x18f: {  	[tilespmem:s2], [sflag:$0x1] =	stream.indirect_vreg.gather [hbm4b:s11+s23], $0x80, v4, vm0, $0xb8;
	[tilespmem:$0x18400] =	vst v63  }
0x190: {  	s17 =	simm.s32 $0xE400  }
0x191: {  	[tilespmem:s17], [sflag:$0x1] =	stream.indirect_vreg.gather [hbm4b:s1+s23], $0x80, v3, vm0, $0xb8;
	[tilespmem:$0x18400] =	vst v63  }
0x192: {  	s22 =	simm.s32 $0xEC00  }
0x193: {  	[tilespmem:s22], [sflag:$0x1] =	stream.indirect_vreg.gather [hbm4b:s9+s23], $0x80, v3, vm0, $0xb8;
	[tilespmem:$0x18400] =	vst v63  }
0x194: {  	s25 =	simm.s32 $0x0  }
0x195: {  	[tilespmem:s7], [sflag:$0x1] =	stream.indirect_vreg.gather [hbm4b:s10+s23], $0x80, v3, vm0, $0xb8;
	[tilespmem:$0x18400] =	vst v63  }
0x196: {  	s0 =	sand.u32 $0x2000, s25  }
0x197: {  	[tilespmem:s15], [sflag:$0x1] =	stream.indirect_vreg.gather [hbm4b:s11+s23], $0x80, v3, vm0, $0xb8;
	[tilespmem:$0x18400] =	vst v63  }
0x198: {  	s2 =	sand.u32 $0x1C00, s23;
	s17 =	simm.s32 $0x0;
	_ =	swait.ge [sflag:s19], $0x4000  }
0x199: {  	s0 =	sor.u32 s2, s0;
	s26 =	sand.u32 $0x380, s17;
	[sflag:s19] =	ssyncset.done $0x0  }
0x19a: {  	s22 =	sor.u32 s26, s0;
	[sflag:s19] =	ssyncadd.s32 $0xFFFFC000  }
0x19b: {  	v3 =	vld [tilespmem:s22+$0x14470]  }
0x19c: {  	v8 =	vld [tilespmem:s22+$0x14400]  }
0x19d: {  	v9 =	vld [tilespmem:s22+$0x14410]  }
0x19e: {  	v7 =	vld [tilespmem:s22+$0x14420]  }
0x19f: {  	v6 =	vld [tilespmem:s22+$0x14430]  }
0x1a0: {  	v5 =	vld [tilespmem:s22+$0x14440]  }
0x1a1: {  	v4 =	vld [tilespmem:s22+$0x14450]  }
0x1a2: {  	[tilespmem:s22+$0x4470] =	vst.add.f32.msk $0xffff, v3  }
0x1a3: {  	v3 =	vld [tilespmem:s22+$0x14460]  }
0x1a4: {  	[tilespmem:s22+$0x4400] =	vst.add.f32.msk $0xffff, v8  }
0x1a5: {  	s25 =	simm.s32 $0x0;
	[tilespmem:s22+$0x4410] =	vst.add.f32.msk $0xffff, v9  }
.LBB2_13:
0x1a6: {  	s25 =	sadd.s32 $0x8, s25;
	[tilespmem:s22+$0x4420] =	vst.add.f32.msk $0xffff, v7  }
0x1a7: {  	s23 =	sadd.s32 $0x400, s23;
	s0 =	sshll.u32 s25, $0x4;
	p1 =	slt.u32 s25, $0x3F8;
	[tilespmem:s22+$0x4430] =	vst.add.f32.msk $0xffff, v6  }
0x1a8: {  	s2 =	sand.u32 $0x1C00, s23;
	s17 =	sshll.u32 s25, $0x1;
	s0 =	sand.u32 $0x2000, s0;
	[tilespmem:s22+$0x4440] =	vst.add.f32.msk $0xffff, v5  }
0x1a9: {  	s0 =	sor.u32 s2, s0;
	s2 =	sand.u32 $0x380, s17;
	[tilespmem:s22+$0x4450] =	vst.add.f32.msk $0xffff, v4  }
0x1aa: {  	[tilespmem:s22+$0x4460] =	vst.add.f32.msk $0xffff, v3;
	s22 =	sor.u32 s2, s0  }
0x1ab: {  	v3 =	vld [tilespmem:s22+$0x14470]  }
0x1ac: {  	v8 =	vld [tilespmem:s22+$0x14400]  }
0x1ad: {  	v9 =	vld [tilespmem:s22+$0x14410]  }
0x1ae: {  	v7 =	vld [tilespmem:s22+$0x14420]  }
0x1af: {  	v6 =	vld [tilespmem:s22+$0x14430]  }
0x1b0: {  	[tilespmem:s22+$0x4470] =	vst.add.f32.msk $0xffff, v3  }
.Ltmp5:
0x1b1: {  	v5 =	vld [tilespmem:s22+$0x14440];
	(pc) =	sbr.rel @p1 .LBB2_13-.Ltmp5, $4  }
0x1b2: {  	v4 =	vld [tilespmem:s22+$0x14450]  }
0x1b3: {  	v3 =	vld [tilespmem:s22+$0x14460]  }
0x1b4: {  	[tilespmem:s22+$0x4400] =	vst.add.f32.msk $0xffff, v8  }
0x1b5: {  	[tilespmem:s22+$0x4410] =	vst.add.f32.msk $0xffff, v9  }
0x1b6: {  	[tilespmem:s22+$0x4420] =	vst.add.f32.msk $0xffff, v7  }
0x1b7: {  	[tilespmem:s22+$0x4430] =	vst.add.f32.msk $0xffff, v6  }
0x1b8: {  	[tilespmem:s22+$0x4440] =	vst.add.f32.msk $0xffff, v5;
	s0 =	sadd.s32 s12, s6  }
0x1b9: {  	[tilespmem:s22+$0x4450] =	vst.add.f32.msk $0xffff, v4;
	s0 =	sshll.u32 s0, $0x7  }
0x1ba: {  	[tilespmem:s22+$0x4460] =	vst.add.f32.msk $0xffff, v3;
	s0 =	sadd.s32 s3, s0  }
0x1bb: {  	[hbm4b:s0+s4] =	stream.linear.scatter [tilespmem:s29], [sflag:$0x2], $0x4000, $0x38;
	[tilespmem:$0x18400] =	vst v63  }
0x1bc: {  	s2 =	sshll.u32 @!p0 s24, $0x6;
	s0 =	sshll.u32 @!p0 s24, $0x4;
	_ =	swait.ge [sflag:s16], $0x4000  }
0x1bd: {  	s2 =	sand.u32 @!p0 $0x600, s2;
	s0 =	sand.u32 @!p0 $0x60, s0;
	[sflag:s16] =	ssyncset.done $0x0  }
0x1be: {  	s22 =	sor.u32 @!p0 s0, s2;
	[sflag:s16] =	ssyncadd.s32 $0xFFFFC000  }
0x1bf: {  	v3 =	vld @!p0 [tilespmem:s22+$0x0];
	_ =	sdelay $0x4  }
0x1c0: {  	v4 =	vshll.u32 @!p0 v3, $0x3  }
0x1c1: {  	v5 =	vlaneseq.u32 @!p0;
	v3 =	vand.u32 @!p0 $0x7, v3;
	v4 =	vand.u32 @!p0 $0xFFFFFFC0, v4  }
0x1c2: {  	v6 =	vshrl.u32 @!p0 v5, $0x3;
	v3 =	vor.u32 @!p0 v3, v4;
	v4 =	vand.u32 @!p0 $0x7, v5  }
0x1c3: {  	v6 =	vmul.u32 @!p0 $0x8, v6;
	v4 =	vperm.xlane @!p0 v3, v4;
	_ =	sdelay $0x1  }
0x1c4: {  	v4 =	vadd.s32 @!p0 v6, v4;
	_ =	sdelay $0x3  }
0x1c5: {  	vm1 =	vmmov @!p0 $0xffff;
	s0 =	simm.s32 @!p0 $0x0;
	s2 =	simm.s32 @!p0 $0x400  }
0x1c6: {  	v5 =	vor.u32 @!p0 $0x8, v5;
	[tilespmem:s2], [sflag:$0x1] =	stream.indirect_vreg.gather @!p0 [hbm4b:s1+s0], $0x80, v4, vm1, $0xb8;
	[tilespmem:$0x18400] =	vst v63  }
0x1c7: {  	v3 =	vperm.xlane @!p0 v3, v5;
	s2 =	simm.s32 @!p0 $0xC00  }
0x1c8: {  	[tilespmem:s2], [sflag:$0x1] =	stream.indirect_vreg.gather @!p0 [hbm4b:s9+s0], $0x80, v4, vm1, $0xb8;
	[tilespmem:$0x18400] =	vst v63  }
0x1c9: {  	v3 =	vadd.s32 @!p0 v6, v3;
	s2 =	simm.s32 @!p0 $0x1400  }
0x1ca: {  	[tilespmem:s2], [sflag:$0x1] =	stream.indirect_vreg.gather @!p0 [hbm4b:s10+s0], $0x80, v4, vm1, $0xb8;
	[tilespmem:$0x18400] =	vst v63  }
0x1cb: {  	s2 =	simm.s32 @!p0 $0x1C00  }
0x1cc: {  	[tilespmem:s2], [sflag:$0x1] =	stream.indirect_vreg.gather @!p0 [hbm4b:s11+s0], $0x80, v4, vm1, $0xb8;
	[tilespmem:$0x18400] =	vst v63  }
0x1cd: {  	s2 =	simm.s32 @!p0 $0x2400  }
0x1ce: {  	[tilespmem:s2], [sflag:$0x1] =	stream.indirect_vreg.gather @!p0 [hbm4b:s1+s0], $0x80, v3, vm1, $0xb8;
	[tilespmem:$0x18400] =	vst v63  }
0x1cf: {  	s2 =	simm.s32 @!p0 $0x2C00  }
0x1d0: {  	[tilespmem:s2], [sflag:$0x1] =	stream.indirect_vreg.gather @!p0 [hbm4b:s9+s0], $0x80, v3, vm1, $0xb8;
	[tilespmem:$0x18400] =	vst v63  }
0x1d1: {  	s23 =	simm.s32 $0x0;
	s2 =	simm.s32 @!p0 $0x3400  }
0x1d2: {  	[tilespmem:s2], [sflag:$0x1] =	stream.indirect_vreg.gather @!p0 [hbm4b:s10+s0], $0x80, v3, vm1, $0xb8;
	[tilespmem:$0x18400] =	vst v63  }
0x1d3: {  	s25 =	simm.s32 $0x0;
	s17 =	simm.s32 $0x0;
	s2 =	simm.s32 @!p0 $0x3C00  }
0x1d4: {  	[tilespmem:s2], [sflag:$0x1] =	stream.indirect_vreg.gather @!p0 [hbm4b:s11+s0], $0x80, v3, vm1, $0xb8;
	[tilespmem:$0x18400] =	vst v63  }
0x1d5: {  	s26 =	sand.u32 $0x1C00, s23;
	s0 =	sand.u32 $0x2000, s25;
	_ =	swait.ge [sflag:s19], $0x4000  }
0x1d6: {  	s17 =	sand.u32 $0x380, s17;
	s0 =	sor.u32 s26, s0;
	[sflag:s19] =	ssyncset.done $0x0  }
0x1d7: {  	s24 =	sor.u32 s17, s0;
	[sflag:s19] =	ssyncadd.s32 $0xFFFFC000  }
0x1d8: {  	s0 =	sadd.s32 $0x10400, s24;
	v3 =	vld [tilespmem:s24+$0x14400]  }
0x1d9: {  	v4 =	vld [tilespmem:s0+$0x4070]  }
0x1da: {  	v8 =	vld [tilespmem:s0+$0x4010]  }
0x1db: {  	v9 =	vld [tilespmem:s0+$0x4020]  }
0x1dc: {  	v7 =	vld [tilespmem:s0+$0x4030]  }
0x1dd: {  	v6 =	vld [tilespmem:s0+$0x4040]  }
0x1de: {  	v5 =	vld [tilespmem:s0+$0x4050]  }
0x1df: {  	[tilespmem:s24+$0x8470] =	vst.add.f32.msk $0xffff, v4  }
0x1e0: {  	v4 =	vld [tilespmem:s0+$0x4060]  }
0x1e1: {  	[tilespmem:s24+$0x8410] =	vst.add.f32.msk $0xffff, v8  }
0x1e2: {  	s25 =	simm.s32 $0x0;
	[tilespmem:s24+$0x8420] =	vst.add.f32.msk $0xffff, v9  }
.LBB2_15:
0x1e3: {  	s25 =	sadd.s32 $0x8, s25;
	[tilespmem:s24+$0x8430] =	vst.add.f32.msk $0xffff, v7  }
0x1e4: {  	s23 =	sadd.s32 $0x400, s23;
	s0 =	sshll.u32 s25, $0x4;
	p1 =	slt.u32 s25, $0x3F8;
	[tilespmem:s24+$0x8440] =	vst.add.f32.msk $0xffff, v6  }
0x1e5: {  	s2 =	sand.u32 $0x1C00, s23;
	s17 =	sshll.u32 s25, $0x1;
	s0 =	sand.u32 $0x2000, s0;
	[tilespmem:s24+$0x8450] =	vst.add.f32.msk $0xffff, v5  }
0x1e6: {  	s17 =	sand.u32 $0x380, s17;
	s0 =	sor.u32 s2, s0;
	[tilespmem:s24+$0x8460] =	vst.add.f32.msk $0xffff, v4  }
0x1e7: {  	[tilespmem:s24+$0x8400] =	vst.add.f32.msk $0xffff, v3;
	s24 =	sor.u32 s17, s0  }
0x1e8: {  	v3 =	vld [tilespmem:s24+$0x14400];
	s0 =	sadd.s32 $0x10400, s24  }
0x1e9: {  	v4 =	vld [tilespmem:s0+$0x4070]  }
0x1ea: {  	v8 =	vld [tilespmem:s0+$0x4010]  }
0x1eb: {  	v9 =	vld [tilespmem:s0+$0x4020]  }
0x1ec: {  	v7 =	vld [tilespmem:s0+$0x4030]  }
0x1ed: {  	v6 =	vld [tilespmem:s0+$0x4040]  }
.Ltmp6:
0x1ee: {  	[tilespmem:s24+$0x8470] =	vst.add.f32.msk $0xffff, v4;
	(pc) =	sbr.rel @p1 .LBB2_15-.Ltmp6, $4  }
0x1ef: {  	v5 =	vld [tilespmem:s0+$0x4050]  }
0x1f0: {  	v4 =	vld [tilespmem:s0+$0x4060]  }
0x1f1: {  	[tilespmem:s24+$0x8410] =	vst.add.f32.msk $0xffff, v8  }
0x1f2: {  	[tilespmem:s24+$0x8420] =	vst.add.f32.msk $0xffff, v9  }
0x1f3: {  	[tilespmem:s24+$0x8430] =	vst.add.f32.msk $0xffff, v7  }
0x1f4: {  	[tilespmem:s24+$0x8440] =	vst.add.f32.msk $0xffff, v6  }
0x1f5: {  	s0 =	sadd.s32 s13, s6;
	[tilespmem:s24+$0x8400] =	vst.add.f32.msk $0xffff, v3  }
0x1f6: {  	[tilespmem:s24+$0x8450] =	vst.add.f32.msk $0xffff, v5;
	s0 =	sshll.u32 s0, $0x7  }
0x1f7: {  	[tilespmem:s24+$0x8460] =	vst.add.f32.msk $0xffff, v4;
	s0 =	sadd.s32 s3, s0  }
0x1f8: {  	[hbm4b:s0+s4] =	stream.linear.scatter [tilespmem:s8], [sflag:$0x2], $0x4000, $0x38;
	[tilespmem:$0x18400] =	vst v63  }
0x1f9: {  	_ =	swait.ge [sflag:s16], $0x4000  }
0x1fa: {  	[sflag:s16] =	ssyncset.done $0x0  }
0x1fb: {  	[sflag:s16] =	ssyncadd.s32 $0xFFFFC000  }
0x1fc: {  	v3 =	vld @!p0 [tilespmem:s22+$0x80];
	_ =	sdelay $0x4  }
0x1fd: {  	v4 =	vshll.u32 @!p0 v3, $0x3  }
0x1fe: {  	v5 =	vlaneseq.u32 @!p0;
	v3 =	vand.u32 @!p0 $0x7, v3;
	v4 =	vand.u32 @!p0 $0xFFFFFFC0, v4  }
0x1ff: {  	v6 =	vshrl.u32 @!p0 v5, $0x3;
	v3 =	vor.u32 @!p0 v3, v4;
	v4 =	vand.u32 @!p0 $0x7, v5  }
0x200: {  	v6 =	vmul.u32 @!p0 $0x8, v6;
	v4 =	vperm.xlane @!p0 v3, v4;
	_ =	sdelay $0x1  }
0x201: {  	v4 =	vadd.s32 @!p0 v6, v4;
	_ =	sdelay $0x3  }
0x202: {  	s2 =	simm.s32 @!p0 $0x4400;
	s0 =	simm.s32 @!p0 $0x0  }
0x203: {  	v5 =	vor.u32 @!p0 $0x8, v5;
	[tilespmem:s2], [sflag:$0x1] =	stream.indirect_vreg.gather @!p0 [hbm4b:s1+s0], $0x80, v4, vm1, $0xb8;
	[tilespmem:$0x18400] =	vst v63  }
0x204: {  	v3 =	vperm.xlane @!p0 v3, v5;
	s2 =	simm.s32 @!p0 $0x4C00  }
0x205: {  	[tilespmem:s2], [sflag:$0x1] =	stream.indirect_vreg.gather @!p0 [hbm4b:s9+s0], $0x80, v4, vm1, $0xb8;
	[tilespmem:$0x18400] =	vst v63  }
0x206: {  	v3 =	vadd.s32 @!p0 v6, v3;
	s2 =	simm.s32 @!p0 $0x5400  }
0x207: {  	[tilespmem:s2], [sflag:$0x1] =	stream.indirect_vreg.gather @!p0 [hbm4b:s10+s0], $0x80, v4, vm1, $0xb8;
	[tilespmem:$0x18400] =	vst v63  }
0x208: {  	s2 =	simm.s32 @!p0 $0x5C00  }
0x209: {  	[tilespmem:s2], [sflag:$0x1] =	stream.indirect_vreg.gather @!p0 [hbm4b:s11+s0], $0x80, v4, vm1, $0xb8;
	[tilespmem:$0x18400] =	vst v63  }
0x20a: {  	s2 =	simm.s32 @!p0 $0x6400  }
0x20b: {  	[tilespmem:s2], [sflag:$0x1] =	stream.indirect_vreg.gather @!p0 [hbm4b:s1+s0], $0x80, v3, vm1, $0xb8;
	[tilespmem:$0x18400] =	vst v63  }
0x20c: {  	s2 =	simm.s32 @!p0 $0x6C00  }
0x20d: {  	[tilespmem:s2], [sflag:$0x1] =	stream.indirect_vreg.gather @!p0 [hbm4b:s9+s0], $0x80, v3, vm1, $0xb8;
	[tilespmem:$0x18400] =	vst v63  }
0x20e: {  	s25 =	simm.s32 $0x0;
	s2 =	simm.s32 @!p0 $0x7400  }
0x20f: {  	[tilespmem:s2], [sflag:$0x1] =	stream.indirect_vreg.gather @!p0 [hbm4b:s10+s0], $0x80, v3, vm1, $0xb8;
	[tilespmem:$0x18400] =	vst v63  }
0x210: {  	s17 =	simm.s32 $0x0;
	s22 =	simm.s32 $0x0;
	s2 =	simm.s32 @!p0 $0x7C00  }
0x211: {  	[tilespmem:s2], [sflag:$0x1] =	stream.indirect_vreg.gather @!p0 [hbm4b:s11+s0], $0x80, v3, vm1, $0xb8;
	[tilespmem:$0x18400] =	vst v63  }
0x212: {  	s26 =	sand.u32 $0x1C00, s22;
	s0 =	sand.u32 $0x2000, s25;
	_ =	swait.ge [sflag:s19], $0x4000  }
0x213: {  	s17 =	sand.u32 $0x380, s17;
	s0 =	sor.u32 s26, s0;
	[sflag:s19] =	ssyncset.done $0x0  }
0x214: {  	s23 =	sor.u32 s17, s0;
	[sflag:s19] =	ssyncadd.s32 $0xFFFFC000  }
0x215: {  	s0 =	sadd.s32 $0x10400, s23;
	v3 =	vld [tilespmem:s23+$0x14400]  }
0x216: {  	v4 =	vld [tilespmem:s0+$0x4070]  }
0x217: {  	v8 =	vld [tilespmem:s0+$0x4010]  }
0x218: {  	v9 =	vld [tilespmem:s0+$0x4020]  }
0x219: {  	v7 =	vld [tilespmem:s0+$0x4030]  }
0x21a: {  	v6 =	vld [tilespmem:s0+$0x4040]  }
0x21b: {  	v5 =	vld [tilespmem:s0+$0x4050]  }
0x21c: {  	[tilespmem:s23+$0xC470] =	vst.add.f32.msk $0xffff, v4  }
0x21d: {  	v4 =	vld [tilespmem:s0+$0x4060]  }
0x21e: {  	[tilespmem:s23+$0xC410] =	vst.add.f32.msk $0xffff, v8  }
0x21f: {  	s24 =	simm.s32 $0x0;
	[tilespmem:s23+$0xC420] =	vst.add.f32.msk $0xffff, v9  }
.LBB2_17:
0x220: {  	s24 =	sadd.s32 $0x8, s24;
	[tilespmem:s23+$0xC430] =	vst.add.f32.msk $0xffff, v7  }
0x221: {  	s22 =	sadd.s32 $0x400, s22;
	s0 =	sshll.u32 s24, $0x4;
	p1 =	slt.u32 s24, $0x3F8;
	[tilespmem:s23+$0xC440] =	vst.add.f32.msk $0xffff, v6  }
0x222: {  	s2 =	sand.u32 $0x1C00, s22;
	s17 =	sshll.u32 s24, $0x1;
	s0 =	sand.u32 $0x2000, s0;
	[tilespmem:s23+$0xC450] =	vst.add.f32.msk $0xffff, v5  }
0x223: {  	s17 =	sand.u32 $0x380, s17;
	s0 =	sor.u32 s2, s0;
	[tilespmem:s23+$0xC460] =	vst.add.f32.msk $0xffff, v4  }
0x224: {  	[tilespmem:s23+$0xC400] =	vst.add.f32.msk $0xffff, v3;
	s23 =	sor.u32 s17, s0  }
0x225: {  	v3 =	vld [tilespmem:s23+$0x14400];
	s0 =	sadd.s32 $0x10400, s23  }
0x226: {  	v4 =	vld [tilespmem:s0+$0x4070]  }
0x227: {  	v8 =	vld [tilespmem:s0+$0x4010]  }
0x228: {  	v9 =	vld [tilespmem:s0+$0x4020]  }
0x229: {  	v7 =	vld [tilespmem:s0+$0x4030]  }
0x22a: {  	v6 =	vld [tilespmem:s0+$0x4040]  }
.Ltmp7:
0x22b: {  	[tilespmem:s23+$0xC470] =	vst.add.f32.msk $0xffff, v4;
	(pc) =	sbr.rel @p1 .LBB2_17-.Ltmp7, $4  }
0x22c: {  	v5 =	vld [tilespmem:s0+$0x4050]  }
0x22d: {  	v4 =	vld [tilespmem:s0+$0x4060]  }
0x22e: {  	[tilespmem:s23+$0xC410] =	vst.add.f32.msk $0xffff, v8  }
0x22f: {  	[tilespmem:s23+$0xC420] =	vst.add.f32.msk $0xffff, v9  }
0x230: {  	[tilespmem:s23+$0xC430] =	vst.add.f32.msk $0xffff, v7  }
0x231: {  	[tilespmem:s23+$0xC440] =	vst.add.f32.msk $0xffff, v6  }
0x232: {  	[tilespmem:s23+$0xC400] =	vst.add.f32.msk $0xffff, v3  }
0x233: {  	[tilespmem:s23+$0xC450] =	vst.add.f32.msk $0xffff, v5  }
0x234: {  	[tilespmem:s23+$0xC460] =	vst.add.f32.msk $0xffff, v4  }
0x235: {  	s0 =	sshll.u32 @!p0 s21, $0xC;
	s17 =	simm.s32 @!p0 $0x14400;
	s2 =	rddreg [dreg:$0x7]  }
0x236: {  	s21 =	sadd.s32 $0x1, s21;
	s0 =	sadd.s32 @!p0 s0, s2;
	s2 =	simm.s32 @!p0 $0x0  }
0x237: {  	[tilespmem:s17], [sflag:$0x3] =	stream.linear.gather @!p0 [hbm4b:s0+s2], $0x4000, $0x38;
	[tilespmem:$0x18400] =	vst v63  }
0x238: {  	p0 =	sne.s32 s21, $0x8  }
.Ltmp8:
0x239: {  	_ = 	snop;
	(pc) =	sbr.rel @p0 .LBB2_2-.Ltmp8, $4  }
0x23a: {  	s26 =	sadd.s32 s14, s6  }
0x23b: {  	s0 =	sshll.u32 s26, $0x7  }
0x23c: {  	s0 =	sadd.s32 s3, s0  }
0x23d: {  	[hbm4b:s0+s4] =	stream.linear.scatter [tilespmem:s30], [sflag:$0x2], $0x4000, $0x38;
	[tilespmem:$0x18400] =	vst v63  }
0x23e: {  	_ =	swait.ge [sflag:s16], $0x4000  }
0x23f: {  	[sflag:s16] =	ssyncset.done $0x0  }
0x240: {  	[sflag:s16] =	ssyncadd.s32 $0xFFFFC000  }
0x241: {  	_ =	swait.ge [sflag:s16], $0x4000  }
0x242: {  	s2 =	rddreg [dreg:$0x9]  }
0x243: {  	s0 =	rddreg [dreg:$0x8];
	s2 =	sadd.s32 $0x1, s2  }
0x244: {  	p0 =	sne.s32 s2, s0  }
.Ltmp9:
0x245: {  	_ = 	snop;
	(pc) =	sbr.rel @p0 .LBB2_1-.Ltmp9, $3  }
0x246: {  	_ =	sdelay $0x1  }
0x247: {  	[sflag:s16] =	ssyncset.done $0x0  }
0x248: {  	[sflag:s16] =	ssyncadd.s32 $0xFFFFC000  }
0x249: {  	_ =	sfence.sel $0x180000  }
0x24a: {  	[bflag:$0x0] =	sbarrier.arrive $0xFFFF  }
0x24b: {  	_ =	strace $0x90000047  }
0x24c: {  	s0 =	stileid.u32;
	[bflag:$0x2] =	sbarrier.arrive $0xFFFF  }
0x24d: {  	p0 =	sne.s32 s0, $0x0;
	s0 =	rddreg [dreg:$0x4]  }
0x24e: {  	s0 =	sadd.s32 @!p0 $0x100000, s0  }
0x24f: {  	[sflag:s0] =	ssyncadd.tile.s32 @!p0 $0x1;
	_ =	shalt  }
.Lfunc_end2:
_tile_overlayer_lowered:
.L_overlay_start_2:
0x250: {  	(tag) =	ssettag $0x2  }
0x251: {  	s0 =	rddreg [dreg:$0x0];
	s2 =	stileid.u32  }
0x252: {  	s1 =	rddreg [dreg:$0x1];
	p0 =	sne.s32 s2, $0x0  }
0x253: {  	s3 =	rddreg [dreg:$0x2];
	[bflag:$0x3] =	sbarrier.arrive $0xFFFF;
	s2 =	simm.s32 @!p0 $0x1C04  }
0x254: {  	[timem:s3], [sflag:s2] =	dma.local @!p0 [hbm:s0], s1  }
0x255: {  	s0 =	simm.s32 @!p0 $0x4  }
0x256: {  	_ =	swait.ge @!p0 [sflag:s0], s1  }
0x257: {  	s1 =	ssub.s32 @!p0 $0x0, s1;
	[sflag:s0] =	ssyncset.done @!p0 $0x0  }
0x258: {  	[sflag:s0] =	ssyncadd.s32 @!p0 s1  }
0x259: {  	[bflag:$0x3] =	sbarrier.arrive $0xFFFF  }
0x25a: {  	_ =	shalt  }

</sc_bundles>
